<compile_context>
chip_gen: v7x
topology: tpu7x:2x2x1
jax: 0.10.2.dev20260603
libtpu: 0.0.44.dev20260713+nightly
codegen_flags: <defaults>
</compile_context>

<pallas_src>
import jax
import jax.numpy as jnp
from jax import lax
from jax.experimental import pallas as pl
from jax.experimental.pallas import tpu as pltpu
from jax.experimental.pallas import tpu_sc as plsc

N_NODES = 10000
N_EDGES = 320000
DIM = 128
NUM_CLASSES = 40

NC = 2
NS = 16
DH = DIM // NC
RPT = N_NODES // NS
EC = 40
ER = N_EDGES // EC
ERT = ER // NS
DEC = 80
DER = N_EDGES // DEC
ERW = DER // (NC * NS)
DW = 16

RB = 2000
GRID = N_NODES // RB


def _sc_mesh():
  return plsc.VectorSubcoreMesh(
      core_axis_name="c", subcore_axis_name="s",
      num_cores=NC, num_subcores=NS)



def _deg_body(ei3, degp, acc, dst2d, ones, zbuf):
  c = lax.axis_index("c")
  s = lax.axis_index("s")
  w = c * NS + s
  r0 = s * RPT

  def fill_ones(i, carry):
    ones[i, :] = jnp.full((DW,), 1.0, dtype=jnp.float32)
    return carry
  lax.fori_loop(0, DEC, fill_ones, 0)

  def fill_zero(i, carry):
    zbuf[i, :] = jnp.zeros((DW,), dtype=jnp.float32)
    return carry
  lax.fori_loop(0, RPT, fill_zero, 0)

  pltpu.sync_copy(zbuf, acc.at[pl.ds(r0, RPT)])
  pltpu.sync_copy(ei3.at[1, pl.ds(w * ERW, ERW)], dst2d)
  plsc.subcore_barrier()

  def chunk(i, carry):
    pltpu.sync_copy(ones, acc.at[dst2d.at[i]], add=True)
    return carry
  lax.fori_loop(0, ERW, chunk, 0)

  plsc.subcore_barrier()
  pltpu.sync_copy(acc.at[pl.ds(r0, RPT)], degp.at[c, pl.ds(r0, RPT)])


def _degrees(ei3):
  f = pl.kernel(
      _deg_body,
      out_type=jax.ShapeDtypeStruct((NC, N_NODES, DW), jnp.float32),
      mesh=_sc_mesh(),
      scratch_types=[
          pltpu.VMEM_SHARED((N_NODES, DW), jnp.float32),
          pltpu.VMEM((ERW, DEC), jnp.int32),
          pltpu.VMEM((DEC, DW), jnp.float32),
          pltpu.VMEM((RPT, DW), jnp.float32),
      ],
      compiler_params=pltpu.CompilerParams(use_tc_tiling_on_sc=False),
      name="gcn_degrees",
  )
  return f(ei3)


def _prop_body(hsa, hsb, ei3, out, table, acc, src2d, dst2d,
               rows0, rows1,
               gsem0, gsem1,
               ssem0, ssem1):
  c = lax.axis_index("c")
  s = lax.axis_index("s")
  r0 = s * RPT
  col0 = c * DH
  rows = (rows0, rows1)
  gsem = (gsem0, gsem1)
  ssem = (ssem0, ssem1)

  def stage(hs):
    pltpu.async_copy(hs.at[pl.ds(r0, RPT)], table.at[pl.ds(r0, RPT)], gsem[0])
    pltpu.async_copy(hs.at[pl.ds(r0, RPT)], acc.at[pl.ds(r0, RPT)], gsem[1])
    pltpu.async_copy(ei3.at[0, pl.ds(s * ERT, ERT)], src2d, ssem[0])
    pltpu.async_copy(ei3.at[1, pl.ds(s * ERT, ERT)], dst2d, ssem[1])
    pltpu.make_async_copy(hs.at[pl.ds(r0, RPT)], table.at[pl.ds(r0, RPT)],
                          gsem[0]).wait()
    pltpu.make_async_copy(hs.at[pl.ds(r0, RPT)], acc.at[pl.ds(r0, RPT)],
                          gsem[1]).wait()
    pltpu.make_async_copy(ei3.at[0, pl.ds(s * ERT, ERT)], src2d,
                          ssem[0]).wait()
    pltpu.make_async_copy(ei3.at[1, pl.ds(s * ERT, ERT)], dst2d,
                          ssem[1]).wait()

  @pl.when(c == 0)
  def _():
    stage(hsa)

  @pl.when(c == 1)
  def _():
    stage(hsb)

  plsc.subcore_barrier()

  def gather_start(i, b):
    pltpu.async_copy(table.at[src2d.at[i]], rows[b], gsem[b])

  def gather_wait(i, b):
    pltpu.make_async_copy(table.at[src2d.at[i]], rows[b], gsem[b]).wait()

  gather_start(0, 0)

  def chunk(it, carry):
    g = it * 2
    gather_wait(g, 0)
    gather_start(g + 1, 1)
    pltpu.sync_copy(rows[0], acc.at[dst2d.at[g]], add=True)
    gather_wait(g + 1, 1)

    @pl.when(g + 2 < ERT)
    def _():
      gather_start(g + 2, 0)

    pltpu.sync_copy(rows[1], acc.at[dst2d.at[g + 1]], add=True)
    return carry
  lax.fori_loop(0, ERT // 2, chunk, 0, unroll=False)

  plsc.subcore_barrier()
  pltpu.sync_copy(acc.at[pl.ds(r0, RPT)],
                  out.at[pl.ds(r0, RPT), pl.ds(col0, DH)])


def _propagate(hsa, hsb, ei3):
  f = pl.kernel(
      _prop_body,
      out_type=jax.ShapeDtypeStruct((N_NODES, DIM), jnp.float32),
      mesh=_sc_mesh(),
      scratch_types=[
          pltpu.VMEM_SHARED((N_NODES, DH), jnp.float32),
          pltpu.VMEM_SHARED((N_NODES, DH), jnp.float32),
          pltpu.VMEM((ERT, EC), jnp.int32),
          pltpu.VMEM((ERT, EC), jnp.int32),
          pltpu.VMEM((EC, DH), jnp.float32),
          pltpu.VMEM((EC, DH), jnp.float32),
          pltpu.SemaphoreType.DMA,
          pltpu.SemaphoreType.DMA,
          pltpu.SemaphoreType.DMA,
          pltpu.SemaphoreType.DMA,
      ],
      compiler_params=pltpu.CompilerParams(use_tc_tiling_on_sc=False),
      name="gcn_propagate",
  )
  return f(hsa, hsb, ei3)



def _dinv_of(degp_ref):
  deg = degp_ref[0, :, 0] + degp_ref[1, :, 0] + 1.0
  return lax.rsqrt(deg)


def _mm1_body(x_ref, w1_ref, o_ref):
  o_ref[...] = jnp.dot(x_ref[...], w1_ref[...],
                       preferred_element_type=jnp.float32,
                       precision=lax.Precision.HIGHEST)


def _tc1_body(degp_ref, h_ref, oa_ref, ob_ref):
  dinv = _dinv_of(degp_ref)
  h = h_ref[...] * dinv[:, None]
  oa_ref[...] = h[:, :DH]
  ob_ref[...] = h[:, DH:]


def _tc2_body(degp_ref, s1_ref, b1_ref, w2_ref, oa_ref, ob_ref):
  dinv = _dinv_of(degp_ref)
  h1p = jnp.maximum(s1_ref[...] * dinv[:, None] + b1_ref[...], 0.0)
  h2 = jnp.dot(h1p, w2_ref[...],
               preferred_element_type=jnp.float32,
               precision=lax.Precision.HIGHEST) * dinv[:, None]
  oa_ref[...] = h2[:, :DH]
  ob_ref[...] = h2[:, DH:]


def _tc3_body(degp_ref, s2_ref, b2_ref, wl_ref, bl_ref, o_ref):
  dinv = _dinv_of(degp_ref)
  h2p = jnp.maximum(s2_ref[...] * dinv[:, None] + b2_ref[...], 0.0)
  o_ref[...] = jnp.dot(h2p, wl_ref[...],
                       preferred_element_type=jnp.float32,
                       precision=lax.Precision.HIGHEST) + bl_ref[...]


def _degp_spec():
  return pl.BlockSpec((NC, RB, DW), lambda i: (0, i, 0))


def _mm1(x, W1):
  return pl.pallas_call(
      _mm1_body,
      grid=(GRID,),
      in_specs=[
          pl.BlockSpec((RB, DIM), lambda i: (i, 0)),
          pl.BlockSpec((DIM, DIM), lambda i: (0, 0)),
      ],
      out_specs=pl.BlockSpec((RB, DIM), lambda i: (i, 0)),
      out_shape=jax.ShapeDtypeStruct((N_NODES, DIM), jnp.float32),
  )(x, W1)


def _tc_stage1(degp, h1):
  return pl.pallas_call(
      _tc1_body,
      grid=(GRID,),
      in_specs=[
          _degp_spec(),
          pl.BlockSpec((RB, DIM), lambda i: (i, 0)),
      ],
      out_specs=[pl.BlockSpec((RB, DH), lambda i: (i, 0)),
                 pl.BlockSpec((RB, DH), lambda i: (i, 0))],
      out_shape=[jax.ShapeDtypeStruct((N_NODES, DH), jnp.float32),
                 jax.ShapeDtypeStruct((N_NODES, DH), jnp.float32)],
  )(degp, h1)


def _tc_stage2(degp, s1, b1, W2):
  return pl.pallas_call(
      _tc2_body,
      grid=(GRID,),
      in_specs=[
          _degp_spec(),
          pl.BlockSpec((RB, DIM), lambda i: (i, 0)),
          pl.BlockSpec((1, DIM), lambda i: (0, 0)),
          pl.BlockSpec((DIM, DIM), lambda i: (0, 0)),
      ],
      out_specs=[pl.BlockSpec((RB, DH), lambda i: (i, 0)),
                 pl.BlockSpec((RB, DH), lambda i: (i, 0))],
      out_shape=[jax.ShapeDtypeStruct((N_NODES, DH), jnp.float32),
                 jax.ShapeDtypeStruct((N_NODES, DH), jnp.float32)],
  )(degp, s1, b1, W2)


def _tc_stage3(degp, s2, b2, Wl, bl):
  return pl.pallas_call(
      _tc3_body,
      grid=(GRID,),
      in_specs=[
          _degp_spec(),
          pl.BlockSpec((RB, DIM), lambda i: (i, 0)),
          pl.BlockSpec((1, DIM), lambda i: (0, 0)),
          pl.BlockSpec((DIM, NUM_CLASSES), lambda i: (0, 0)),
          pl.BlockSpec((1, NUM_CLASSES), lambda i: (0, 0)),
      ],
      out_specs=pl.BlockSpec((RB, NUM_CLASSES), lambda i: (i, 0)),
      out_shape=jax.ShapeDtypeStruct((N_NODES, NUM_CLASSES), jnp.float32),
  )(degp, s2, b2, Wl, bl)



def kernel(x, edge_index, W1, b1, W2, b2, Wl, bl):
  ei3 = edge_index.reshape(2, ER, EC)
  h1 = _mm1(x, W1)
  degp = _degrees(edge_index.reshape(2, DER, DEC))
  hs1a, hs1b = _tc_stage1(degp, h1)
  s1 = _propagate(hs1a, hs1b, ei3)
  hs2a, hs2b = _tc_stage2(degp, s1, b1.reshape(1, DIM), W2)
  s2 = _propagate(hs2a, hs2b, ei3)
  return _tc_stage3(degp, s2, b2.reshape(1, DIM), Wl, bl.reshape(1, NUM_CLASSES))

# --- scband reference (transcript-rebuilt; emitter-appended) ---
"""Pipeline reference for scband-gcnclassifier-13597866459805 (READ-ONLY COPY).

The authoritative reference and input builder live on the scoring server;
editing this copy changes nothing except your own understanding.
"""

import jax, jax.numpy as jnp
import numpy as np

N_NODES = 10000
N_EDGES = 320000
IN_DIM = 128
HIDDEN_DIM = 128
NUM_CLASSES = 40


def setup_inputs(seed: int = 0) -> dict:
    key = jax.random.key(seed)
    ks = jax.random.split(key, 8)
    x = jax.random.normal(ks[0], (N_NODES, IN_DIM), dtype=jnp.float32)
    edge_index = jax.random.randint(ks[1], (2, N_EDGES), 0, N_NODES, dtype=jnp.int32)
    W1 = jax.random.normal(ks[2], (IN_DIM, HIDDEN_DIM), dtype=jnp.float32) * (1.0 / np.sqrt(IN_DIM))
    b1 = jnp.zeros((HIDDEN_DIM,), dtype=jnp.float32)
    W2 = jax.random.normal(ks[3], (HIDDEN_DIM, HIDDEN_DIM), dtype=jnp.float32) * (1.0 / np.sqrt(HIDDEN_DIM))
    b2 = jnp.zeros((HIDDEN_DIM,), dtype=jnp.float32)
    Wl = jax.random.normal(ks[4], (HIDDEN_DIM, NUM_CLASSES), dtype=jnp.float32) * (1.0 / np.sqrt(HIDDEN_DIM))
    bl = jnp.zeros((NUM_CLASSES,), dtype=jnp.float32)
    return {"x": x, "edge_index": edge_index, "W1": W1, "b1": b1, "W2": W2, "b2": b2, "Wl": Wl, "bl": bl}


def gcn_conv(x, src, dst, W, b, num_nodes):
    # PyG GCNConv: linear transform first, then symmetric-normalized propagation, then bias.
    h = x @ W
    # degrees computed on the self-loop-augmented graph (loops appended in reference())
    ones = jnp.ones_like(dst, dtype=jnp.float32)
    deg = jax.ops.segment_sum(ones, dst, num_segments=num_nodes)
    deg_inv_sqrt = jnp.where(deg > 0, deg ** -0.5, 0.0)
    norm = deg_inv_sqrt[src] * deg_inv_sqrt[dst]
    msg = h[src] * norm[:, None]
    out = jax.ops.segment_sum(msg, dst, num_segments=num_nodes)
    return out + b


def reference(x, edge_index, W1, b1, W2, b2, Wl, bl):
    num_nodes = x.shape[0]
    loops = jnp.arange(num_nodes, dtype=edge_index.dtype)
    src = jnp.concatenate([edge_index[0], loops])
    dst = jnp.concatenate([edge_index[1], loops])
    h = jax.nn.relu(gcn_conv(x, src, dst, W1, b1, num_nodes))
    # dropout is identity in eval mode
    h = jax.nn.relu(gcn_conv(h, src, dst, W2, b2, num_nodes))
    return h @ Wl + bl

if __name__ == "__main__":
    import jax
    _d = setup_inputs()
    print(jax.jit(kernel)(*tuple(_d.values())))

</pallas_src>

<mosaic_0001>
#map = affine_map<(d0, d1) -> (0, 0)>
#map1 = affine_map<(d0, d1) -> (0, 0, 0)>
module attributes {stable_mosaic.version = 14 : i64} {
  func.func @gcn_propagate(%arg0: i32, %arg1: i32, %arg2: memref<10000x64xf32, #tpu.memory_space<hbm>>, %arg3: memref<10000x64xf32, #tpu.memory_space<hbm>>, %arg4: memref<2x8000x40xi32, #tpu.memory_space<hbm>>, %arg5: memref<10000x128xf32, #tpu.memory_space<hbm>>, %arg6: memref<10000x64xf32, #tpu.memory_space<vmem_shared>>, %arg7: memref<10000x64xf32, #tpu.memory_space<vmem_shared>>, %arg8: memref<500x40xi32, #tpu.memory_space<vmem>>, %arg9: memref<500x40xi32, #tpu.memory_space<vmem>>, %arg10: memref<40x64xf32, #tpu.memory_space<vmem>>, %arg11: memref<40x64xf32, #tpu.memory_space<vmem>>, %arg12: memref<!tpu.dma_semaphore, #tpu.memory_space<semaphore_mem>>, %arg13: memref<!tpu.dma_semaphore, #tpu.memory_space<semaphore_mem>>, %arg14: memref<!tpu.dma_semaphore, #tpu.memory_space<semaphore_mem>>, %arg15: memref<!tpu.dma_semaphore, #tpu.memory_space<semaphore_mem>>) attributes {dimension_semantics = [#tpu.dimension_semantics<core_parallel>, #tpu.dimension_semantics<subcore_parallel>], iteration_bounds = array<i64: 2, 16>, scalar_prefetch = 0 : i64, scratch_operands = 10 : i64, tpu.core_type = #tpu.core_type<sc_vector_subcore>, window_params = [{transform_indices = #map}, {transform_indices = #map}, {transform_indices = #map1}, {transform_indices = #map}]} {
    %mul3A = arith.constant 625 : i32
    %mul3A_0 = arith.muli %arg1, %mul3A : i32
    %mul3A_1 = arith.constant 64 : i32
    %mul3A_2 = arith.muli %arg0, %mul3A_1 : i32
    %eq3A = arith.constant 0 : i32
    %eq3A_3 = arith.cmpi eq, %arg0, %eq3A : i32
    %convert_element_type3A = arith.extui %eq3A_3 : i1 to i32
    %cond3A = arith.constant 0 : i32
    %cond3A_4 = arith.cmpi ne, %convert_element_type3A, %cond3A : i32
    scf.if %cond3A_4 {
      %dma_start3A_22 = arith.constant 0 : i32
      %dma_start3A_23 = tpu.memref_slice %arg6[%mul3A_0, %dma_start3A_22] : memref<10000x64xf32, #tpu.memory_space<vmem_shared>> -> memref<625x64xf32, #tpu.memory_space<vmem_shared>>
      %dma_start3A_24 = arith.constant 0 : i32
      %dma_start3A_25 = tpu.memref_slice %arg2[%mul3A_0, %dma_start3A_24] : memref<10000x64xf32, #tpu.memory_space<hbm>> -> memref<625x64xf32, #tpu.memory_space<hbm>>
      tpu.enqueue_dma source(%dma_start3A_25 : memref<625x64xf32, #tpu.memory_space<hbm>>) target(%dma_start3A_23 : memref<625x64xf32, #tpu.memory_space<vmem_shared>>) target_semaphore(%arg12 : memref<!tpu.dma_semaphore, #tpu.memory_space<semaphore_mem>>)
      %dma_start3A_26 = arith.constant 0 : i32
      %dma_start3A_27 = tpu.memref_slice %arg7[%mul3A_0, %dma_start3A_26] : memref<10000x64xf32, #tpu.memory_space<vmem_shared>> -> memref<625x64xf32, #tpu.memory_space<vmem_shared>>
      %dma_start3A_28 = arith.constant 0 : i32
      %dma_start3A_29 = tpu.memref_slice %arg2[%mul3A_0, %dma_start3A_28] : memref<10000x64xf32, #tpu.memory_space<hbm>> -> memref<625x64xf32, #tpu.memory_space<hbm>>
      tpu.enqueue_dma source(%dma_start3A_29 : memref<625x64xf32, #tpu.memory_space<hbm>>) target(%dma_start3A_27 : memref<625x64xf32, #tpu.memory_space<vmem_shared>>) target_semaphore(%arg13 : memref<!tpu.dma_semaphore, #tpu.memory_space<semaphore_mem>>)
      %mul3A_30 = arith.constant 500 : i32
      %mul3A_31 = arith.muli %arg1, %mul3A_30 : i32
      %dma_start3A_32 = arith.constant 0 : i32
      %dma_start3A_33 = arith.constant 0 : i32
      %dma_start3A_34 = tpu.memref_slice %arg4[%dma_start3A_32, %mul3A_31, %dma_start3A_33] : memref<2x8000x40xi32, #tpu.memory_space<hbm>> -> memref<1x500x40xi32, #tpu.memory_space<hbm>>
      %dma_start3A_35 = tpu.memref_squeeze %dma_start3A_34 : memref<1x500x40xi32, #tpu.memory_space<hbm>> -> memref<500x40xi32, #tpu.memory_space<hbm>>
      %dma_start3A_36 = arith.constant 0 : i32
      %dma_start3A_37 = tpu.memref_slice %arg4[%dma_start3A_32, %mul3A_31, %dma_start3A_36] : memref<2x8000x40xi32, #tpu.memory_space<hbm>> -> memref<1x500x40xi32, #tpu.memory_space<hbm>>
      %dma_start3A_38 = tpu.memref_squeeze %dma_start3A_37 : memref<1x500x40xi32, #tpu.memory_space<hbm>> -> memref<500x40xi32, #tpu.memory_space<hbm>>
      tpu.enqueue_dma source(%dma_start3A_38 : memref<500x40xi32, #tpu.memory_space<hbm>>) target(%arg8 : memref<500x40xi32, #tpu.memory_space<vmem>>) target_semaphore(%arg14 : memref<!tpu.dma_semaphore, #tpu.memory_space<semaphore_mem>>)
      %mul3A_39 = arith.constant 500 : i32
      %mul3A_40 = arith.muli %arg1, %mul3A_39 : i32
      %dma_start3A_41 = arith.constant 1 : i32
      %dma_start3A_42 = arith.constant 0 : i32
      %dma_start3A_43 = tpu.memref_slice %arg4[%dma_start3A_41, %mul3A_40, %dma_start3A_42] : memref<2x8000x40xi32, #tpu.memory_space<hbm>> -> memref<1x500x40xi32, #tpu.memory_space<hbm>>
      %dma_start3A_44 = tpu.memref_squeeze %dma_start3A_43 : memref<1x500x40xi32, #tpu.memory_space<hbm>> -> memref<500x40xi32, #tpu.memory_space<hbm>>
      %dma_start3A_45 = arith.constant 0 : i32
      %dma_start3A_46 = tpu.memref_slice %arg4[%dma_start3A_41, %mul3A_40, %dma_start3A_45] : memref<2x8000x40xi32, #tpu.memory_space<hbm>> -> memref<1x500x40xi32, #tpu.memory_space<hbm>>
      %dma_start3A_47 = tpu.memref_squeeze %dma_start3A_46 : memref<1x500x40xi32, #tpu.memory_space<hbm>> -> memref<500x40xi32, #tpu.memory_space<hbm>>
      tpu.enqueue_dma source(%dma_start3A_47 : memref<500x40xi32, #tpu.memory_space<hbm>>) target(%arg9 : memref<500x40xi32, #tpu.memory_space<vmem>>) target_semaphore(%arg15 : memref<!tpu.dma_semaphore, #tpu.memory_space<semaphore_mem>>)
      %dma_wait3A = arith.constant 0 : i32
      %dma_wait3A_48 = tpu.memref_slice %arg6[%mul3A_0, %dma_wait3A] : memref<10000x64xf32, #tpu.memory_space<vmem_shared>> -> memref<625x64xf32, #tpu.memory_space<vmem_shared>>
      %dma_wait3A_49 = arith.constant 0 : i32
      %dma_wait3A_50 = tpu.memref_slice %arg2[%mul3A_0, %dma_wait3A_49] : memref<10000x64xf32, #tpu.memory_space<hbm>> -> memref<625x64xf32, #tpu.memory_space<hbm>>
      tpu.wait_dma2 semaphore(%arg12 : memref<!tpu.dma_semaphore, #tpu.memory_space<semaphore_mem>>) src(%dma_wait3A_50 : memref<625x64xf32, #tpu.memory_space<hbm>>) dst(%dma_wait3A_48 : memref<625x64xf32, #tpu.memory_space<vmem_shared>>)
      %dma_wait3A_51 = arith.constant 0 : i32
      %dma_wait3A_52 = tpu.memref_slice %arg7[%mul3A_0, %dma_wait3A_51] : memref<10000x64xf32, #tpu.memory_space<vmem_shared>> -> memref<625x64xf32, #tpu.memory_space<vmem_shared>>
      %dma_wait3A_53 = arith.constant 0 : i32
      %dma_wait3A_54 = tpu.memref_slice %arg2[%mul3A_0, %dma_wait3A_53] : memref<10000x64xf32, #tpu.memory_space<hbm>> -> memref<625x64xf32, #tpu.memory_space<hbm>>
      tpu.wait_dma2 semaphore(%arg13 : memref<!tpu.dma_semaphore, #tpu.memory_space<semaphore_mem>>) src(%dma_wait3A_54 : memref<625x64xf32, #tpu.memory_space<hbm>>) dst(%dma_wait3A_52 : memref<625x64xf32, #tpu.memory_space<vmem_shared>>)
      %mul3A_55 = arith.constant 500 : i32
      %mul3A_56 = arith.muli %arg1, %mul3A_55 : i32
      %dma_wait3A_57 = arith.constant 0 : i32
      %dma_wait3A_58 = arith.constant 0 : i32
      %dma_wait3A_59 = tpu.memref_slice %arg4[%dma_wait3A_57, %mul3A_56, %dma_wait3A_58] : memref<2x8000x40xi32, #tpu.memory_space<hbm>> -> memref<1x500x40xi32, #tpu.memory_space<hbm>>
      %dma_wait3A_60 = tpu.memref_squeeze %dma_wait3A_59 : memref<1x500x40xi32, #tpu.memory_space<hbm>> -> memref<500x40xi32, #tpu.memory_space<hbm>>
      %dma_wait3A_61 = arith.constant 0 : i32
      %dma_wait3A_62 = tpu.memref_slice %arg4[%dma_wait3A_57, %mul3A_56, %dma_wait3A_61] : memref<2x8000x40xi32, #tpu.memory_space<hbm>> -> memref<1x500x40xi32, #tpu.memory_space<hbm>>
      %dma_wait3A_63 = tpu.memref_squeeze %dma_wait3A_62 : memref<1x500x40xi32, #tpu.memory_space<hbm>> -> memref<500x40xi32, #tpu.memory_space<hbm>>
      tpu.wait_dma2 semaphore(%arg14 : memref<!tpu.dma_semaphore, #tpu.memory_space<semaphore_mem>>) src(%dma_wait3A_63 : memref<500x40xi32, #tpu.memory_space<hbm>>) dst(%arg8 : memref<500x40xi32, #tpu.memory_space<vmem>>)
      %mul3A_64 = arith.constant 500 : i32
      %mul3A_65 = arith.muli %arg1, %mul3A_64 : i32
      %dma_wait3A_66 = arith.constant 1 : i32
      %dma_wait3A_67 = arith.constant 0 : i32
      %dma_wait3A_68 = tpu.memref_slice %arg4[%dma_wait3A_66, %mul3A_65, %dma_wait3A_67] : memref<2x8000x40xi32, #tpu.memory_space<hbm>> -> memref<1x500x40xi32, #tpu.memory_space<hbm>>
      %dma_wait3A_69 = tpu.memref_squeeze %dma_wait3A_68 : memref<1x500x40xi32, #tpu.memory_space<hbm>> -> memref<500x40xi32, #tpu.memory_space<hbm>>
      %dma_wait3A_70 = arith.constant 0 : i32
      %dma_wait3A_71 = tpu.memref_slice %arg4[%dma_wait3A_66, %mul3A_65, %dma_wait3A_70] : memref<2x8000x40xi32, #tpu.memory_space<hbm>> -> memref<1x500x40xi32, #tpu.memory_space<hbm>>
      %dma_wait3A_72 = tpu.memref_squeeze %dma_wait3A_71 : memref<1x500x40xi32, #tpu.memory_space<hbm>> -> memref<500x40xi32, #tpu.memory_space<hbm>>
      tpu.wait_dma2 semaphore(%arg15 : memref<!tpu.dma_semaphore, #tpu.memory_space<semaphore_mem>>) src(%dma_wait3A_72 : memref<500x40xi32, #tpu.memory_space<hbm>>) dst(%arg9 : memref<500x40xi32, #tpu.memory_space<vmem>>)
    } else {
    }
    %eq3A_5 = arith.constant 1 : i32
    %eq3A_6 = arith.cmpi eq, %arg0, %eq3A_5 : i32
    %convert_element_type3A_7 = arith.extui %eq3A_6 : i1 to i32
    %cond3A_8 = arith.constant 0 : i32
    %cond3A_9 = arith.cmpi ne, %convert_element_type3A_7, %cond3A_8 : i32
    scf.if %cond3A_9 {
      %dma_start3A_22 = arith.constant 0 : i32
      %dma_start3A_23 = tpu.memref_slice %arg6[%mul3A_0, %dma_start3A_22] : memref<10000x64xf32, #tpu.memory_space<vmem_shared>> -> memref<625x64xf32, #tpu.memory_space<vmem_shared>>
      %dma_start3A_24 = arith.constant 0 : i32
      %dma_start3A_25 = tpu.memref_slice %arg3[%mul3A_0, %dma_start3A_24] : memref<10000x64xf32, #tpu.memory_space<hbm>> -> memref<625x64xf32, #tpu.memory_space<hbm>>
      tpu.enqueue_dma source(%dma_start3A_25 : memref<625x64xf32, #tpu.memory_space<hbm>>) target(%dma_start3A_23 : memref<625x64xf32, #tpu.memory_space<vmem_shared>>) target_semaphore(%arg12 : memref<!tpu.dma_semaphore, #tpu.memory_space<semaphore_mem>>)
      %dma_start3A_26 = arith.constant 0 : i32
      %dma_start3A_27 = tpu.memref_slice %arg7[%mul3A_0, %dma_start3A_26] : memref<10000x64xf32, #tpu.memory_space<vmem_shared>> -> memref<625x64xf32, #tpu.memory_space<vmem_shared>>
      %dma_start3A_28 = arith.constant 0 : i32
      %dma_start3A_29 = tpu.memref_slice %arg3[%mul3A_0, %dma_start3A_28] : memref<10000x64xf32, #tpu.memory_space<hbm>> -> memref<625x64xf32, #tpu.memory_space<hbm>>
      tpu.enqueue_dma source(%dma_start3A_29 : memref<625x64xf32, #tpu.memory_space<hbm>>) target(%dma_start3A_27 : memref<625x64xf32, #tpu.memory_space<vmem_shared>>) target_semaphore(%arg13 : memref<!tpu.dma_semaphore, #tpu.memory_space<semaphore_mem>>)
      %mul3A_30 = arith.constant 500 : i32
      %mul3A_31 = arith.muli %arg1, %mul3A_30 : i32
      %dma_start3A_32 = arith.constant 0 : i32
      %dma_start3A_33 = arith.constant 0 : i32
      %dma_start3A_34 = tpu.memref_slice %arg4[%dma_start3A_32, %mul3A_31, %dma_start3A_33] : memref<2x8000x40xi32, #tpu.memory_space<hbm>> -> memref<1x500x40xi32, #tpu.memory_space<hbm>>
      %dma_start3A_35 = tpu.memref_squeeze %dma_start3A_34 : memref<1x500x40xi32, #tpu.memory_space<hbm>> -> memref<500x40xi32, #tpu.memory_space<hbm>>
      %dma_start3A_36 = arith.constant 0 : i32
      %dma_start3A_37 = tpu.memref_slice %arg4[%dma_start3A_32, %mul3A_31, %dma_start3A_36] : memref<2x8000x40xi32, #tpu.memory_space<hbm>> -> memref<1x500x40xi32, #tpu.memory_space<hbm>>
      %dma_start3A_38 = tpu.memref_squeeze %dma_start3A_37 : memref<1x500x40xi32, #tpu.memory_space<hbm>> -> memref<500x40xi32, #tpu.memory_space<hbm>>
      tpu.enqueue_dma source(%dma_start3A_38 : memref<500x40xi32, #tpu.memory_space<hbm>>) target(%arg8 : memref<500x40xi32, #tpu.memory_space<vmem>>) target_semaphore(%arg14 : memref<!tpu.dma_semaphore, #tpu.memory_space<semaphore_mem>>)
      %mul3A_39 = arith.constant 500 : i32
      %mul3A_40 = arith.muli %arg1, %mul3A_39 : i32
      %dma_start3A_41 = arith.constant 1 : i32
      %dma_start3A_42 = arith.constant 0 : i32
      %dma_start3A_43 = tpu.memref_slice %arg4[%dma_start3A_41, %mul3A_40, %dma_start3A_42] : memref<2x8000x40xi32, #tpu.memory_space<hbm>> -> memref<1x500x40xi32, #tpu.memory_space<hbm>>
      %dma_start3A_44 = tpu.memref_squeeze %dma_start3A_43 : memref<1x500x40xi32, #tpu.memory_space<hbm>> -> memref<500x40xi32, #tpu.memory_space<hbm>>
      %dma_start3A_45 = arith.constant 0 : i32
      %dma_start3A_46 = tpu.memref_slice %arg4[%dma_start3A_41, %mul3A_40, %dma_start3A_45] : memref<2x8000x40xi32, #tpu.memory_space<hbm>> -> memref<1x500x40xi32, #tpu.memory_space<hbm>>
      %dma_start3A_47 = tpu.memref_squeeze %dma_start3A_46 : memref<1x500x40xi32, #tpu.memory_space<hbm>> -> memref<500x40xi32, #tpu.memory_space<hbm>>
      tpu.enqueue_dma source(%dma_start3A_47 : memref<500x40xi32, #tpu.memory_space<hbm>>) target(%arg9 : memref<500x40xi32, #tpu.memory_space<vmem>>) target_semaphore(%arg15 : memref<!tpu.dma_semaphore, #tpu.memory_space<semaphore_mem>>)
      %dma_wait3A = arith.constant 0 : i32
      %dma_wait3A_48 = tpu.memref_slice %arg6[%mul3A_0, %dma_wait3A] : memref<10000x64xf32, #tpu.memory_space<vmem_shared>> -> memref<625x64xf32, #tpu.memory_space<vmem_shared>>
      %dma_wait3A_49 = arith.constant 0 : i32
      %dma_wait3A_50 = tpu.memref_slice %arg3[%mul3A_0, %dma_wait3A_49] : memref<10000x64xf32, #tpu.memory_space<hbm>> -> memref<625x64xf32, #tpu.memory_space<hbm>>
      tpu.wait_dma2 semaphore(%arg12 : memref<!tpu.dma_semaphore, #tpu.memory_space<semaphore_mem>>) src(%dma_wait3A_50 : memref<625x64xf32, #tpu.memory_space<hbm>>) dst(%dma_wait3A_48 : memref<625x64xf32, #tpu.memory_space<vmem_shared>>)
      %dma_wait3A_51 = arith.constant 0 : i32
      %dma_wait3A_52 = tpu.memref_slice %arg7[%mul3A_0, %dma_wait3A_51] : memref<10000x64xf32, #tpu.memory_space<vmem_shared>> -> memref<625x64xf32, #tpu.memory_space<vmem_shared>>
      %dma_wait3A_53 = arith.constant 0 : i32
      %dma_wait3A_54 = tpu.memref_slice %arg3[%mul3A_0, %dma_wait3A_53] : memref<10000x64xf32, #tpu.memory_space<hbm>> -> memref<625x64xf32, #tpu.memory_space<hbm>>
      tpu.wait_dma2 semaphore(%arg13 : memref<!tpu.dma_semaphore, #tpu.memory_space<semaphore_mem>>) src(%dma_wait3A_54 : memref<625x64xf32, #tpu.memory_space<hbm>>) dst(%dma_wait3A_52 : memref<625x64xf32, #tpu.memory_space<vmem_shared>>)
      %mul3A_55 = arith.constant 500 : i32
      %mul3A_56 = arith.muli %arg1, %mul3A_55 : i32
      %dma_wait3A_57 = arith.constant 0 : i32
      %dma_wait3A_58 = arith.constant 0 : i32
      %dma_wait3A_59 = tpu.memref_slice %arg4[%dma_wait3A_57, %mul3A_56, %dma_wait3A_58] : memref<2x8000x40xi32, #tpu.memory_space<hbm>> -> memref<1x500x40xi32, #tpu.memory_space<hbm>>
      %dma_wait3A_60 = tpu.memref_squeeze %dma_wait3A_59 : memref<1x500x40xi32, #tpu.memory_space<hbm>> -> memref<500x40xi32, #tpu.memory_space<hbm>>
      %dma_wait3A_61 = arith.constant 0 : i32
      %dma_wait3A_62 = tpu.memref_slice %arg4[%dma_wait3A_57, %mul3A_56, %dma_wait3A_61] : memref<2x8000x40xi32, #tpu.memory_space<hbm>> -> memref<1x500x40xi32, #tpu.memory_space<hbm>>
      %dma_wait3A_63 = tpu.memref_squeeze %dma_wait3A_62 : memref<1x500x40xi32, #tpu.memory_space<hbm>> -> memref<500x40xi32, #tpu.memory_space<hbm>>
      tpu.wait_dma2 semaphore(%arg14 : memref<!tpu.dma_semaphore, #tpu.memory_space<semaphore_mem>>) src(%dma_wait3A_63 : memref<500x40xi32, #tpu.memory_space<hbm>>) dst(%arg8 : memref<500x40xi32, #tpu.memory_space<vmem>>)
      %mul3A_64 = arith.constant 500 : i32
      %mul3A_65 = arith.muli %arg1, %mul3A_64 : i32
      %dma_wait3A_66 = arith.constant 1 : i32
      %dma_wait3A_67 = arith.constant 0 : i32
      %dma_wait3A_68 = tpu.memref_slice %arg4[%dma_wait3A_66, %mul3A_65, %dma_wait3A_67] : memref<2x8000x40xi32, #tpu.memory_space<hbm>> -> memref<1x500x40xi32, #tpu.memory_space<hbm>>
      %dma_wait3A_69 = tpu.memref_squeeze %dma_wait3A_68 : memref<1x500x40xi32, #tpu.memory_space<hbm>> -> memref<500x40xi32, #tpu.memory_space<hbm>>
      %dma_wait3A_70 = arith.constant 0 : i32
      %dma_wait3A_71 = tpu.memref_slice %arg4[%dma_wait3A_66, %mul3A_65, %dma_wait3A_70] : memref<2x8000x40xi32, #tpu.memory_space<hbm>> -> memref<1x500x40xi32, #tpu.memory_space<hbm>>
      %dma_wait3A_72 = tpu.memref_squeeze %dma_wait3A_71 : memref<1x500x40xi32, #tpu.memory_space<hbm>> -> memref<500x40xi32, #tpu.memory_space<hbm>>
      tpu.wait_dma2 semaphore(%arg15 : memref<!tpu.dma_semaphore, #tpu.memory_space<semaphore_mem>>) src(%dma_wait3A_72 : memref<500x40xi32, #tpu.memory_space<hbm>>) dst(%arg9 : memref<500x40xi32, #tpu.memory_space<vmem>>)
    } else {
    }
    %barrier3A = arith.constant 0 : index
    tpu.barrier barrier_id(%barrier3A)
    %dma_start3A = arith.constant 0 : i32
    %dma_start3A_10 = arith.constant 0 : i32
    %dma_start3A_11 = tpu.memref_slice %arg8[%dma_start3A, %dma_start3A_10] : memref<500x40xi32, #tpu.memory_space<vmem>> -> memref<1x40xi32, #tpu.memory_space<vmem>>
    %dma_start3A_12 = tpu.memref_squeeze %dma_start3A_11 : memref<1x40xi32, #tpu.memory_space<vmem>> -> memref<40xi32, #tpu.memory_space<vmem>>
    %dma_start3A_13 = arith.constant 0 : i32
    %dma_start3A_14 = arith.constant 0 : i32
    %dma_start3A_15 = tpu.memref_slice %arg6[%dma_start3A_13, %dma_start3A_14] : memref<10000x64xf32, #tpu.memory_space<vmem_shared>> -> memref<10000x64xf32, #tpu.memory_space<vmem_shared>>
    tpu.enqueue_indirect_dma source(%dma_start3A_15 : memref<10000x64xf32, #tpu.memory_space<vmem_shared>>) target(%arg10 : memref<40x64xf32, #tpu.memory_space<vmem>>) offsets(%dma_start3A_12 : memref<40xi32, #tpu.memory_space<vmem>>) semaphore(%arg12 : memref<!tpu.dma_semaphore, #tpu.memory_space<semaphore_mem>>)
    %scan3A = arith.constant 0 : i32
    %scan3A_16 = arith.constant 0 : i32
    %scan3A_17 = arith.constant 250 : i32
    %scan3A_18 = arith.addi %scan3A_16, %scan3A_17 : i32
    %scan3A_19 = arith.constant 1 : i32
    scf.for %scan3A_22 = %scan3A_16 to %scan3A_18 step %scan3A_19  : i32 {
      %mul3A_23 = arith.constant 2 : i32
      %mul3A_24 = arith.muli %scan3A_22, %mul3A_23 : i32
      %dma_wait3A = arith.constant 0 : i32
      %dma_wait3A_25 = tpu.memref_slice %arg8[%mul3A_24, %dma_wait3A] : memref<500x40xi32, #tpu.memory_space<vmem>> -> memref<1x40xi32, #tpu.memory_space<vmem>>
      %dma_wait3A_26 = tpu.memref_squeeze %dma_wait3A_25 : memref<1x40xi32, #tpu.memory_space<vmem>> -> memref<40xi32, #tpu.memory_space<vmem>>
      %dma_wait3A_27 = arith.constant 0 : i32
      %dma_wait3A_28 = arith.constant 0 : i32
      %dma_wait3A_29 = tpu.memref_slice %arg6[%dma_wait3A_27, %dma_wait3A_28] : memref<10000x64xf32, #tpu.memory_space<vmem_shared>> -> memref<10000x64xf32, #tpu.memory_space<vmem_shared>>
      tpu.wait_indirect_dma semaphore(%arg12 : memref<!tpu.dma_semaphore, #tpu.memory_space<semaphore_mem>>) src(%dma_wait3A_29 : memref<10000x64xf32, #tpu.memory_space<vmem_shared>>) dst(%arg10 : memref<40x64xf32, #tpu.memory_space<vmem>>)
      %add3A = arith.constant 1 : i32
      %add3A_30 = arith.addi %mul3A_24, %add3A : i32
      %dma_start3A_31 = arith.constant 0 : i32
      %dma_start3A_32 = tpu.memref_slice %arg8[%add3A_30, %dma_start3A_31] : memref<500x40xi32, #tpu.memory_space<vmem>> -> memref<1x40xi32, #tpu.memory_space<vmem>>
      %dma_start3A_33 = tpu.memref_squeeze %dma_start3A_32 : memref<1x40xi32, #tpu.memory_space<vmem>> -> memref<40xi32, #tpu.memory_space<vmem>>
      %dma_start3A_34 = arith.constant 0 : i32
      %dma_start3A_35 = arith.constant 0 : i32
      %dma_start3A_36 = tpu.memref_slice %arg6[%dma_start3A_34, %dma_start3A_35] : memref<10000x64xf32, #tpu.memory_space<vmem_shared>> -> memref<10000x64xf32, #tpu.memory_space<vmem_shared>>
      tpu.enqueue_indirect_dma source(%dma_start3A_36 : memref<10000x64xf32, #tpu.memory_space<vmem_shared>>) target(%arg11 : memref<40x64xf32, #tpu.memory_space<vmem>>) offsets(%dma_start3A_33 : memref<40xi32, #tpu.memory_space<vmem>>) semaphore(%arg13 : memref<!tpu.dma_semaphore, #tpu.memory_space<semaphore_mem>>)
      "tpu.region"() ({
        %run_scoped3A = tpu.sem_alloc : memref<!tpu.dma_semaphore, #tpu.memory_space<semaphore_mem>>
        %dma_start3A_53 = arith.constant 0 : i32
        %dma_start3A_54 = tpu.memref_slice %arg9[%mul3A_24, %dma_start3A_53] : memref<500x40xi32, #tpu.memory_space<vmem>> -> memref<1x40xi32, #tpu.memory_space<vmem>>
        %dma_start3A_55 = tpu.memref_squeeze %dma_start3A_54 : memref<1x40xi32, #tpu.memory_space<vmem>> -> memref<40xi32, #tpu.memory_space<vmem>>
        %dma_start3A_56 = arith.constant 0 : i32
        %dma_start3A_57 = arith.constant 0 : i32
        %dma_start3A_58 = tpu.memref_slice %arg7[%dma_start3A_56, %dma_start3A_57] : memref<10000x64xf32, #tpu.memory_space<vmem_shared>> -> memref<10000x64xf32, #tpu.memory_space<vmem_shared>>
        tpu.enqueue_indirect_dma source(%arg10 : memref<40x64xf32, #tpu.memory_space<vmem>>) target(%dma_start3A_58 : memref<10000x64xf32, #tpu.memory_space<vmem_shared>>) offsets(%dma_start3A_55 : memref<40xi32, #tpu.memory_space<vmem>>) semaphore(%run_scoped3A : memref<!tpu.dma_semaphore, #tpu.memory_space<semaphore_mem>>) {add = true}
        %dma_wait3A_59 = arith.constant 0 : i32
        %dma_wait3A_60 = tpu.memref_slice %arg9[%mul3A_24, %dma_wait3A_59] : memref<500x40xi32, #tpu.memory_space<vmem>> -> memref<1x40xi32, #tpu.memory_space<vmem>>
        %dma_wait3A_61 = tpu.memref_squeeze %dma_wait3A_60 : memref<1x40xi32, #tpu.memory_space<vmem>> -> memref<40xi32, #tpu.memory_space<vmem>>
        %dma_wait3A_62 = arith.constant 0 : i32
        %dma_wait3A_63 = arith.constant 0 : i32
        %dma_wait3A_64 = tpu.memref_slice %arg7[%dma_wait3A_62, %dma_wait3A_63] : memref<10000x64xf32, #tpu.memory_space<vmem_shared>> -> memref<10000x64xf32, #tpu.memory_space<vmem_shared>>
        tpu.wait_indirect_dma semaphore(%run_scoped3A : memref<!tpu.dma_semaphore, #tpu.memory_space<semaphore_mem>>) src(%arg10 : memref<40x64xf32, #tpu.memory_space<vmem>>) dst(%dma_wait3A_64 : memref<10000x64xf32, #tpu.memory_space<vmem_shared>>)
        tpu.yield
      }) : () -> ()
      %add3A_37 = arith.constant 1 : i32
      %add3A_38 = arith.addi %mul3A_24, %add3A_37 : i32
      %dma_wait3A_39 = arith.constant 0 : i32
      %dma_wait3A_40 = tpu.memref_slice %arg8[%add3A_38, %dma_wait3A_39] : memref<500x40xi32, #tpu.memory_space<vmem>> -> memref<1x40xi32, #tpu.memory_space<vmem>>
      %dma_wait3A_41 = tpu.memref_squeeze %dma_wait3A_40 : memref<1x40xi32, #tpu.memory_space<vmem>> -> memref<40xi32, #tpu.memory_space<vmem>>
      %dma_wait3A_42 = arith.constant 0 : i32
      %dma_wait3A_43 = arith.constant 0 : i32
      %dma_wait3A_44 = tpu.memref_slice %arg6[%dma_wait3A_42, %dma_wait3A_43] : memref<10000x64xf32, #tpu.memory_space<vmem_shared>> -> memref<10000x64xf32, #tpu.memory_space<vmem_shared>>
      tpu.wait_indirect_dma semaphore(%arg13 : memref<!tpu.dma_semaphore, #tpu.memory_space<semaphore_mem>>) src(%dma_wait3A_44 : memref<10000x64xf32, #tpu.memory_space<vmem_shared>>) dst(%arg11 : memref<40x64xf32, #tpu.memory_space<vmem>>)
      %add3A_45 = arith.constant 2 : i32
      %add3A_46 = arith.addi %mul3A_24, %add3A_45 : i32
      %lt3A = arith.constant 500 : i32
      %lt3A_47 = arith.cmpi slt, %add3A_46, %lt3A : i32
      %convert_element_type3A_48 = arith.extui %lt3A_47 : i1 to i32
      %cond3A_49 = arith.constant 0 : i32
      %cond3A_50 = arith.cmpi ne, %convert_element_type3A_48, %cond3A_49 : i32
      scf.if %cond3A_50 {
        %add3A_53 = arith.constant 2 : i32
        %add3A_54 = arith.addi %mul3A_24, %add3A_53 : i32
        %dma_start3A_55 = arith.constant 0 : i32
        %dma_start3A_56 = tpu.memref_slice %arg8[%add3A_54, %dma_start3A_55] : memref<500x40xi32, #tpu.memory_space<vmem>> -> memref<1x40xi32, #tpu.memory_space<vmem>>
        %dma_start3A_57 = tpu.memref_squeeze %dma_start3A_56 : memref<1x40xi32, #tpu.memory_space<vmem>> -> memref<40xi32, #tpu.memory_space<vmem>>
        %dma_start3A_58 = arith.constant 0 : i32
        %dma_start3A_59 = arith.constant 0 : i32
        %dma_start3A_60 = tpu.memref_slice %arg6[%dma_start3A_58, %dma_start3A_59] : memref<10000x64xf32, #tpu.memory_space<vmem_shared>> -> memref<10000x64xf32, #tpu.memory_space<vmem_shared>>
        tpu.enqueue_indirect_dma source(%dma_start3A_60 : memref<10000x64xf32, #tpu.memory_space<vmem_shared>>) target(%arg10 : memref<40x64xf32, #tpu.memory_space<vmem>>) offsets(%dma_start3A_57 : memref<40xi32, #tpu.memory_space<vmem>>) semaphore(%arg12 : memref<!tpu.dma_semaphore, #tpu.memory_space<semaphore_mem>>)
      } else {
      }
      %add3A_51 = arith.constant 1 : i32
      %add3A_52 = arith.addi %mul3A_24, %add3A_51 : i32
      "tpu.region"() ({
        %run_scoped3A = tpu.sem_alloc : memref<!tpu.dma_semaphore, #tpu.memory_space<semaphore_mem>>
        %dma_start3A_53 = arith.constant 0 : i32
        %dma_start3A_54 = tpu.memref_slice %arg9[%add3A_52, %dma_start3A_53] : memref<500x40xi32, #tpu.memory_space<vmem>> -> memref<1x40xi32, #tpu.memory_space<vmem>>
        %dma_start3A_55 = tpu.memref_squeeze %dma_start3A_54 : memref<1x40xi32, #tpu.memory_space<vmem>> -> memref<40xi32, #tpu.memory_space<vmem>>
        %dma_start3A_56 = arith.constant 0 : i32
        %dma_start3A_57 = arith.constant 0 : i32
        %dma_start3A_58 = tpu.memref_slice %arg7[%dma_start3A_56, %dma_start3A_57] : memref<10000x64xf32, #tpu.memory_space<vmem_shared>> -> memref<10000x64xf32, #tpu.memory_space<vmem_shared>>
        tpu.enqueue_indirect_dma source(%arg11 : memref<40x64xf32, #tpu.memory_space<vmem>>) target(%dma_start3A_58 : memref<10000x64xf32, #tpu.memory_space<vmem_shared>>) offsets(%dma_start3A_55 : memref<40xi32, #tpu.memory_space<vmem>>) semaphore(%run_scoped3A : memref<!tpu.dma_semaphore, #tpu.memory_space<semaphore_mem>>) {add = true}
        %dma_wait3A_59 = arith.constant 0 : i32
        %dma_wait3A_60 = tpu.memref_slice %arg9[%add3A_52, %dma_wait3A_59] : memref<500x40xi32, #tpu.memory_space<vmem>> -> memref<1x40xi32, #tpu.memory_space<vmem>>
        %dma_wait3A_61 = tpu.memref_squeeze %dma_wait3A_60 : memref<1x40xi32, #tpu.memory_space<vmem>> -> memref<40xi32, #tpu.memory_space<vmem>>
        %dma_wait3A_62 = arith.constant 0 : i32
        %dma_wait3A_63 = arith.constant 0 : i32
        %dma_wait3A_64 = tpu.memref_slice %arg7[%dma_wait3A_62, %dma_wait3A_63] : memref<10000x64xf32, #tpu.memory_space<vmem_shared>> -> memref<10000x64xf32, #tpu.memory_space<vmem_shared>>
        tpu.wait_indirect_dma semaphore(%run_scoped3A : memref<!tpu.dma_semaphore, #tpu.memory_space<semaphore_mem>>) src(%arg11 : memref<40x64xf32, #tpu.memory_space<vmem>>) dst(%dma_wait3A_64 : memref<10000x64xf32, #tpu.memory_space<vmem_shared>>)
        tpu.yield
      }) : () -> ()
    }
    %scan3A_20 = arith.constant 250 : i32
    %barrier3A_21 = arith.constant 0 : index
    tpu.barrier barrier_id(%barrier3A_21)
    "tpu.region"() ({
      %run_scoped3A = tpu.sem_alloc : memref<!tpu.dma_semaphore, #tpu.memory_space<semaphore_mem>>
      %dma_start3A_22 = tpu.memref_slice %arg5[%mul3A_0, %mul3A_2] : memref<10000x128xf32, #tpu.memory_space<hbm>> -> memref<625x64xf32, #tpu.memory_space<hbm>>
      %dma_start3A_23 = arith.constant 0 : i32
      %dma_start3A_24 = tpu.memref_slice %arg7[%mul3A_0, %dma_start3A_23] : memref<10000x64xf32, #tpu.memory_space<vmem_shared>> -> memref<625x64xf32, #tpu.memory_space<vmem_shared>>
      tpu.enqueue_dma source(%dma_start3A_24 : memref<625x64xf32, #tpu.memory_space<vmem_shared>>) target(%dma_start3A_22 : memref<625x64xf32, #tpu.memory_space<hbm>>) target_semaphore(%run_scoped3A : memref<!tpu.dma_semaphore, #tpu.memory_space<semaphore_mem>>)
      %dma_wait3A = tpu.memref_slice %arg5[%mul3A_0, %mul3A_2] : memref<10000x128xf32, #tpu.memory_space<hbm>> -> memref<625x64xf32, #tpu.memory_space<hbm>>
      %dma_wait3A_25 = arith.constant 0 : i32
      %dma_wait3A_26 = tpu.memref_slice %arg7[%mul3A_0, %dma_wait3A_25] : memref<10000x64xf32, #tpu.memory_space<vmem_shared>> -> memref<625x64xf32, #tpu.memory_space<vmem_shared>>
      tpu.wait_dma2 semaphore(%run_scoped3A : memref<!tpu.dma_semaphore, #tpu.memory_space<semaphore_mem>>) src(%dma_wait3A_26 : memref<625x64xf32, #tpu.memory_space<vmem_shared>>) dst(%dma_wait3A : memref<625x64xf32, #tpu.memory_space<hbm>>)
      tpu.yield
    }) : () -> ()
    return
  }
}

#map = affine_map<(d0, d1) -> (0, 0)>
#map1 = affine_map<(d0, d1) -> (0, 0, 0)>
module attributes {stable_mosaic.version = 14 : i64} {
  func.func @gcn_propagate(%arg0: i32, %arg1: i32, %arg2: memref<10000x64xf32, #tpu.memory_space<hbm>>, %arg3: memref<10000x64xf32, #tpu.memory_space<hbm>>, %arg4: memref<2x8000x40xi32, #tpu.memory_space<hbm>>, %arg5: memref<10000x128xf32, #tpu.memory_space<hbm>>, %arg6: memref<10000x64xf32, #tpu.memory_space<vmem_shared>>, %arg7: memref<10000x64xf32, #tpu.memory_space<vmem_shared>>, %arg8: memref<500x40xi32, #tpu.memory_space<vmem>>, %arg9: memref<500x40xi32, #tpu.memory_space<vmem>>, %arg10: memref<40x64xf32, #tpu.memory_space<vmem>>, %arg11: memref<40x64xf32, #tpu.memory_space<vmem>>, %arg12: memref<!tpu.dma_semaphore, #tpu.memory_space<semaphore_mem>>, %arg13: memref<!tpu.dma_semaphore, #tpu.memory_space<semaphore_mem>>, %arg14: memref<!tpu.dma_semaphore, #tpu.memory_space<semaphore_mem>>, %arg15: memref<!tpu.dma_semaphore, #tpu.memory_space<semaphore_mem>>) attributes {dimension_semantics = [#tpu.dimension_semantics<core_parallel>, #tpu.dimension_semantics<subcore_parallel>], iteration_bounds = array<i64: 2, 16>, scalar_prefetch = 0 : i64, scratch_operands = 10 : i64, tpu.core_type = #tpu.core_type<sc_vector_subcore>, window_params = [{transform_indices = #map}, {transform_indices = #map}, {transform_indices = #map1}, {transform_indices = #map}]} {
    %mul3A = arith.constant 625 : i32
    %mul3A_0 = arith.muli %arg1, %mul3A : i32
    %mul3A_1 = arith.constant 64 : i32
    %mul3A_2 = arith.muli %arg0, %mul3A_1 : i32
    %eq3A = arith.constant 0 : i32
    %eq3A_3 = arith.cmpi eq, %arg0, %eq3A : i32
    %convert_element_type3A = arith.extui %eq3A_3 : i1 to i32
    %cond3A = arith.constant 0 : i32
    %cond3A_4 = arith.cmpi ne, %convert_element_type3A, %cond3A : i32
    scf.if %cond3A_4 {
      %dma_start3A_22 = arith.constant 0 : i32
      %dma_start3A_23 = tpu.memref_slice %arg6[%mul3A_0, %dma_start3A_22] : memref<10000x64xf32, #tpu.memory_space<vmem_shared>> -> memref<625x64xf32, #tpu.memory_space<vmem_shared>>
      %dma_start3A_24 = arith.constant 0 : i32
      %dma_start3A_25 = tpu.memref_slice %arg2[%mul3A_0, %dma_start3A_24] : memref<10000x64xf32, #tpu.memory_space<hbm>> -> memref<625x64xf32, #tpu.memory_space<hbm>>
      tpu.enqueue_dma source(%dma_start3A_25 : memref<625x64xf32, #tpu.memory_space<hbm>>) target(%dma_start3A_23 : memref<625x64xf32, #tpu.memory_space<vmem_shared>>) target_semaphore(%arg12 : memref<!tpu.dma_semaphore, #tpu.memory_space<semaphore_mem>>)
      %dma_start3A_26 = arith.constant 0 : i32
      %dma_start3A_27 = tpu.memref_slice %arg7[%mul3A_0, %dma_start3A_26] : memref<10000x64xf32, #tpu.memory_space<vmem_shared>> -> memref<625x64xf32, #tpu.memory_space<vmem_shared>>
      %dma_start3A_28 = arith.constant 0 : i32
      %dma_start3A_29 = tpu.memref_slice %arg2[%mul3A_0, %dma_start3A_28] : memref<10000x64xf32, #tpu.memory_space<hbm>> -> memref<625x64xf32, #tpu.memory_space<hbm>>
      tpu.enqueue_dma source(%dma_start3A_29 : memref<625x64xf32, #tpu.memory_space<hbm>>) target(%dma_start3A_27 : memref<625x64xf32, #tpu.memory_space<vmem_shared>>) target_semaphore(%arg13 : memref<!tpu.dma_semaphore, #tpu.memory_space<semaphore_mem>>)
      %mul3A_30 = arith.constant 500 : i32
      %mul3A_31 = arith.muli %arg1, %mul3A_30 : i32
      %dma_start3A_32 = arith.constant 0 : i32
      %dma_start3A_33 = arith.constant 0 : i32
      %dma_start3A_34 = tpu.memref_slice %arg4[%dma_start3A_32, %mul3A_31, %dma_start3A_33] : memref<2x8000x40xi32, #tpu.memory_space<hbm>> -> memref<1x500x40xi32, #tpu.memory_space<hbm>>
      %dma_start3A_35 = tpu.memref_squeeze %dma_start3A_34 : memref<1x500x40xi32, #tpu.memory_space<hbm>> -> memref<500x40xi32, #tpu.memory_space<hbm>>
      %dma_start3A_36 = arith.constant 0 : i32
      %dma_start3A_37 = tpu.memref_slice %arg4[%dma_start3A_32, %mul3A_31, %dma_start3A_36] : memref<2x8000x40xi32, #tpu.memory_space<hbm>> -> memref<1x500x40xi32, #tpu.memory_space<hbm>>
      %dma_start3A_38 = tpu.memref_squeeze %dma_start3A_37 : memref<1x500x40xi32, #tpu.memory_space<hbm>> -> memref<500x40xi32, #tpu.memory_space<hbm>>
      tpu.enqueue_dma source(%dma_start3A_38 : memref<500x40xi32, #tpu.memory_space<hbm>>) target(%arg8 : memref<500x40xi32, #tpu.memory_space<vmem>>) target_semaphore(%arg14 : memref<!tpu.dma_semaphore, #tpu.memory_space<semaphore_mem>>)
      %mul3A_39 = arith.constant 500 : i32
      %mul3A_40 = arith.muli %arg1, %mul3A_39 : i32
      %dma_start3A_41 = arith.constant 1 : i32
      %dma_start3A_42 = arith.constant 0 : i32
      %dma_start3A_43 = tpu.memref_slice %arg4[%dma_start3A_41, %mul3A_40, %dma_start3A_42] : memref<2x8000x40xi32, #tpu.memory_space<hbm>> -> memref<1x500x40xi32, #tpu.memory_space<hbm>>
      %dma_start3A_44 = tpu.memref_squeeze %dma_start3A_43 : memref<1x500x40xi32, #tpu.memory_space<hbm>> -> memref<500x40xi32, #tpu.memory_space<hbm>>
      %dma_start3A_45 = arith.constant 0 : i32
      %dma_start3A_46 = tpu.memref_slice %arg4[%dma_start3A_41, %mul3A_40, %dma_start3A_45] : memref<2x8000x40xi32, #tpu.memory_space<hbm>> -> memref<1x500x40xi32, #tpu.memory_space<hbm>>
      %dma_start3A_47 = tpu.memref_squeeze %dma_start3A_46 : memref<1x500x40xi32, #tpu.memory_space<hbm>> -> memref<500x40xi32, #tpu.memory_space<hbm>>
      tpu.enqueue_dma source(%dma_start3A_47 : memref<500x40xi32, #tpu.memory_space<hbm>>) target(%arg9 : memref<500x40xi32, #tpu.memory_space<vmem>>) target_semaphore(%arg15 : memref<!tpu.dma_semaphore, #tpu.memory_space<semaphore_mem>>)
      %dma_wait3A = arith.constant 0 : i32
      %dma_wait3A_48 = tpu.memref_slice %arg6[%mul3A_0, %dma_wait3A] : memref<10000x64xf32, #tpu.memory_space<vmem_shared>> -> memref<625x64xf32, #tpu.memory_space<vmem_shared>>
      %dma_wait3A_49 = arith.constant 0 : i32
      %dma_wait3A_50 = tpu.memref_slice %arg2[%mul3A_0, %dma_wait3A_49] : memref<10000x64xf32, #tpu.memory_space<hbm>> -> memref<625x64xf32, #tpu.memory_space<hbm>>
      tpu.wait_dma2 semaphore(%arg12 : memref<!tpu.dma_semaphore, #tpu.memory_space<semaphore_mem>>) src(%dma_wait3A_50 : memref<625x64xf32, #tpu.memory_space<hbm>>) dst(%dma_wait3A_48 : memref<625x64xf32, #tpu.memory_space<vmem_shared>>)
      %dma_wait3A_51 = arith.constant 0 : i32
      %dma_wait3A_52 = tpu.memref_slice %arg7[%mul3A_0, %dma_wait3A_51] : memref<10000x64xf32, #tpu.memory_space<vmem_shared>> -> memref<625x64xf32, #tpu.memory_space<vmem_shared>>
      %dma_wait3A_53 = arith.constant 0 : i32
      %dma_wait3A_54 = tpu.memref_slice %arg2[%mul3A_0, %dma_wait3A_53] : memref<10000x64xf32, #tpu.memory_space<hbm>> -> memref<625x64xf32, #tpu.memory_space<hbm>>
      tpu.wait_dma2 semaphore(%arg13 : memref<!tpu.dma_semaphore, #tpu.memory_space<semaphore_mem>>) src(%dma_wait3A_54 : memref<625x64xf32, #tpu.memory_space<hbm>>) dst(%dma_wait3A_52 : memref<625x64xf32, #tpu.memory_space<vmem_shared>>)
      %mul3A_55 = arith.constant 500 : i32
      %mul3A_56 = arith.muli %arg1, %mul3A_55 : i32
      %dma_wait3A_57 = arith.constant 0 : i32
      %dma_wait3A_58 = arith.constant 0 : i32
      %dma_wait3A_59 = tpu.memref_slice %arg4[%dma_wait3A_57, %mul3A_56, %dma_wait3A_58] : memref<2x8000x40xi32, #tpu.memory_space<hbm>> -> memref<1x500x40xi32, #tpu.memory_space<hbm>>
      %dma_wait3A_60 = tpu.memref_squeeze %dma_wait3A_59 : memref<1x500x40xi32, #tpu.memory_space<hbm>> -> memref<500x40xi32, #tpu.memory_space<hbm>>
      %dma_wait3A_61 = arith.constant 0 : i32
      %dma_wait3A_62 = tpu.memref_slice %arg4[%dma_wait3A_57, %mul3A_56, %dma_wait3A_61] : memref<2x8000x40xi32, #tpu.memory_space<hbm>> -> memref<1x500x40xi32, #tpu.memory_space<hbm>>
      %dma_wait3A_63 = tpu.memref_squeeze %dma_wait3A_62 : memref<1x500x40xi32, #tpu.memory_space<hbm>> -> memref<500x40xi32, #tpu.memory_space<hbm>>
      tpu.wait_dma2 semaphore(%arg14 : memref<!tpu.dma_semaphore, #tpu.memory_space<semaphore_mem>>) src(%dma_wait3A_63 : memref<500x40xi32, #tpu.memory_space<hbm>>) dst(%arg8 : memref<500x40xi32, #tpu.memory_space<vmem>>)
      %mul3A_64 = arith.constant 500 : i32
      %mul3A_65 = arith.muli %arg1, %mul3A_64 : i32
      %dma_wait3A_66 = arith.constant 1 : i32
      %dma_wait3A_67 = arith.constant 0 : i32
      %dma_wait3A_68 = tpu.memref_slice %arg4[%dma_wait3A_66, %mul3A_65, %dma_wait3A_67] : memref<2x8000x40xi32, #tpu.memory_space<hbm>> -> memref<1x500x40xi32, #tpu.memory_space<hbm>>
      %dma_wait3A_69 = tpu.memref_squeeze %dma_wait3A_68 : memref<1x500x40xi32, #tpu.memory_space<hbm>> -> memref<500x40xi32, #tpu.memory_space<hbm>>
      %dma_wait3A_70 = arith.constant 0 : i32
      %dma_wait3A_71 = tpu.memref_slice %arg4[%dma_wait3A_66, %mul3A_65, %dma_wait3A_70] : memref<2x8000x40xi32, #tpu.memory_space<hbm>> -> memref<1x500x40xi32, #tpu.memory_space<hbm>>
      %dma_wait3A_72 = tpu.memref_squeeze %dma_wait3A_71 : memref<1x500x40xi32, #tpu.memory_space<hbm>> -> memref<500x40xi32, #tpu.memory_space<hbm>>
      tpu.wait_dma2 semaphore(%arg15 : memref<!tpu.dma_semaphore, #tpu.memory_space<semaphore_mem>>) src(%dma_wait3A_72 : memref<500x40xi32, #tpu.memory_space<hbm>>) dst(%arg9 : memref<500x40xi32, #tpu.memory_space<vmem>>)
    } else {
    }
    %eq3A_5 = arith.constant 1 : i32
    %eq3A_6 = arith.cmpi eq, %arg0, %eq3A_5 : i32
    %convert_element_type3A_7 = arith.extui %eq3A_6 : i1 to i32
    %cond3A_8 = arith.constant 0 : i32
    %cond3A_9 = arith.cmpi ne, %convert_element_type3A_7, %cond3A_8 : i32
    scf.if %cond3A_9 {
      %dma_start3A_22 = arith.constant 0 : i32
      %dma_start3A_23 = tpu.memref_slice %arg6[%mul3A_0, %dma_start3A_22] : memref<10000x64xf32, #tpu.memory_space<vmem_shared>> -> memref<625x64xf32, #tpu.memory_space<vmem_shared>>
      %dma_start3A_24 = arith.constant 0 : i32
      %dma_start3A_25 = tpu.memref_slice %arg3[%mul3A_0, %dma_start3A_24] : memref<10000x64xf32, #tpu.memory_space<hbm>> -> memref<625x64xf32, #tpu.memory_space<hbm>>
      tpu.enqueue_dma source(%dma_start3A_25 : memref<625x64xf32, #tpu.memory_space<hbm>>) target(%dma_start3A_23 : memref<625x64xf32, #tpu.memory_space<vmem_shared>>) target_semaphore(%arg12 : memref<!tpu.dma_semaphore, #tpu.memory_space<semaphore_mem>>)
      %dma_start3A_26 = arith.constant 0 : i32
      %dma_start3A_27 = tpu.memref_slice %arg7[%mul3A_0, %dma_start3A_26] : memref<10000x64xf32, #tpu.memory_space<vmem_shared>> -> memref<625x64xf32, #tpu.memory_space<vmem_shared>>
      %dma_start3A_28 = arith.constant 0 : i32
      %dma_start3A_29 = tpu.memref_slice %arg3[%mul3A_0, %dma_start3A_28] : memref<10000x64xf32, #tpu.memory_space<hbm>> -> memref<625x64xf32, #tpu.memory_space<hbm>>
      tpu.enqueue_dma source(%dma_start3A_29 : memref<625x64xf32, #tpu.memory_space<hbm>>) target(%dma_start3A_27 : memref<625x64xf32, #tpu.memory_space<vmem_shared>>) target_semaphore(%arg13 : memref<!tpu.dma_semaphore, #tpu.memory_space<semaphore_mem>>)
      %mul3A_30 = arith.constant 500 : i32
      %mul3A_31 = arith.muli %arg1, %mul3A_30 : i32
      %dma_start3A_32 = arith.constant 0 : i32
      %dma_start3A_33 = arith.constant 0 : i32
      %dma_start3A_34 = tpu.memref_slice %arg4[%dma_start3A_32, %mul3A_31, %dma_start3A_33] : memref<2x8000x40xi32, #tpu.memory_space<hbm>> -> memref<1x500x40xi32, #tpu.memory_space<hbm>>
      %dma_start3A_35 = tpu.memref_squeeze %dma_start3A_34 : memref<1x500x40xi32, #tpu.memory_space<hbm>> -> memref<500x40xi32, #tpu.memory_space<hbm>>
      %dma_start3A_36 = arith.constant 0 : i32
      %dma_start3A_37 = tpu.memref_slice %arg4[%dma_start3A_32, %mul3A_31, %dma_start3A_36] : memref<2x8000x40xi32, #tpu.memory_space<hbm>> -> memref<1x500x40xi32, #tpu.memory_space<hbm>>
      %dma_start3A_38 = tpu.memref_squeeze %dma_start3A_37 : memref<1x500x40xi32, #tpu.memory_space<hbm>> -> memref<500x40xi32, #tpu.memory_space<hbm>>
      tpu.enqueue_dma source(%dma_start3A_38 : memref<500x40xi32, #tpu.memory_space<hbm>>) target(%arg8 : memref<500x40xi32, #tpu.memory_space<vmem>>) target_semaphore(%arg14 : memref<!tpu.dma_semaphore, #tpu.memory_space<semaphore_mem>>)
      %mul3A_39 = arith.constant 500 : i32
      %mul3A_40 = arith.muli %arg1, %mul3A_39 : i32
      %dma_start3A_41 = arith.constant 1 : i32
      %dma_start3A_42 = arith.constant 0 : i32
      %dma_start3A_43 = tpu.memref_slice %arg4[%dma_start3A_41, %mul3A_40, %dma_start3A_42] : memref<2x8000x40xi32, #tpu.memory_space<hbm>> -> memref<1x500x40xi32, #tpu.memory_space<hbm>>
      %dma_start3A_44 = tpu.memref_squeeze %dma_start3A_43 : memref<1x500x40xi32, #tpu.memory_space<hbm>> -> memref<500x40xi32, #tpu.memory_space<hbm>>
      %dma_start3A_45 = arith.constant 0 : i32
      %dma_start3A_46 = tpu.memref_slice %arg4[%dma_start3A_41, %mul3A_40, %dma_start3A_45] : memref<2x8000x40xi32, #tpu.memory_space<hbm>> -> memref<1x500x40xi32, #tpu.memory_space<hbm>>
      %dma_start3A_47 = tpu.memref_squeeze %dma_start3A_46 : memref<1x500x40xi32, #tpu.memory_space<hbm>> -> memref<500x40xi32, #tpu.memory_space<hbm>>
      tpu.enqueue_dma source(%dma_start3A_47 : memref<500x40xi32, #tpu.memory_space<hbm>>) target(%arg9 : memref<500x40xi32, #tpu.memory_space<vmem>>) target_semaphore(%arg15 : memref<!tpu.dma_semaphore, #tpu.memory_space<semaphore_mem>>)
      %dma_wait3A = arith.constant 0 : i32
      %dma_wait3A_48 = tpu.memref_slice %arg6[%mul3A_0, %dma_wait3A] : memref<10000x64xf32, #tpu.memory_space<vmem_shared>> -> memref<625x64xf32, #tpu.memory_space<vmem_shared>>
      %dma_wait3A_49 = arith.constant 0 : i32
      %dma_wait3A_50 = tpu.memref_slice %arg3[%mul3A_0, %dma_wait3A_49] : memref<10000x64xf32, #tpu.memory_space<hbm>> -> memref<625x64xf32, #tpu.memory_space<hbm>>
      tpu.wait_dma2 semaphore(%arg12 : memref<!tpu.dma_semaphore, #tpu.memory_space<semaphore_mem>>) src(%dma_wait3A_50 : memref<625x64xf32, #tpu.memory_space<hbm>>) dst(%dma_wait3A_48 : memref<625x64xf32, #tpu.memory_space<vmem_shared>>)
      %dma_wait3A_51 = arith.constant 0 : i32
      %dma_wait3A_52 = tpu.memref_slice %arg7[%mul3A_0, %dma_wait3A_51] : memref<10000x64xf32, #tpu.memory_space<vmem_shared>> -> memref<625x64xf32, #tpu.memory_space<vmem_shared>>
      %dma_wait3A_53 = arith.constant 0 : i32
      %dma_wait3A_54 = tpu.memref_slice %arg3[%mul3A_0, %dma_wait3A_53] : memref<10000x64xf32, #tpu.memory_space<hbm>> -> memref<625x64xf32, #tpu.memory_space<hbm>>
      tpu.wait_dma2 semaphore(%arg13 : memref<!tpu.dma_semaphore, #tpu.memory_space<semaphore_mem>>) src(%dma_wait3A_54 : memref<625x64xf32, #tpu.memory_space<hbm>>) dst(%dma_wait3A_52 : memref<625x64xf32, #tpu.memory_space<vmem_shared>>)
      %mul3A_55 = arith.constant 500 : i32
      %mul3A_56 = arith.muli %arg1, %mul3A_55 : i32
      %dma_wait3A_57 = arith.constant 0 : i32
      %dma_wait3A_58 = arith.constant 0 : i32
      %dma_wait3A_59 = tpu.memref_slice %arg4[%dma_wait3A_57, %mul3A_56, %dma_wait3A_58] : memref<2x8000x40xi32, #tpu.memory_space<hbm>> -> memref<1x500x40xi32, #tpu.memory_space<hbm>>
      %dma_wait3A_60 = tpu.memref_squeeze %dma_wait3A_59 : memref<1x500x40xi32, #tpu.memory_space<hbm>> -> memref<500x40xi32, #tpu.memory_space<hbm>>
      %dma_wait3A_61 = arith.constant 0 : i32
      %dma_wait3A_62 = tpu.memref_slice %arg4[%dma_wait3A_57, %mul3A_56, %dma_wait3A_61] : memref<2x8000x40xi32, #tpu.memory_space<hbm>> -> memref<1x500x40xi32, #tpu.memory_space<hbm>>
      %dma_wait3A_63 = tpu.memref_squeeze %dma_wait3A_62 : memref<1x500x40xi32, #tpu.memory_space<hbm>> -> memref<500x40xi32, #tpu.memory_space<hbm>>
      tpu.wait_dma2 semaphore(%arg14 : memref<!tpu.dma_semaphore, #tpu.memory_space<semaphore_mem>>) src(%dma_wait3A_63 : memref<500x40xi32, #tpu.memory_space<hbm>>) dst(%arg8 : memref<500x40xi32, #tpu.memory_space<vmem>>)
      %mul3A_64 = arith.constant 500 : i32
      %mul3A_65 = arith.muli %arg1, %mul3A_64 : i32
      %dma_wait3A_66 = arith.constant 1 : i32
      %dma_wait3A_67 = arith.constant 0 : i32
      %dma_wait3A_68 = tpu.memref_slice %arg4[%dma_wait3A_66, %mul3A_65, %dma_wait3A_67] : memref<2x8000x40xi32, #tpu.memory_space<hbm>> -> memref<1x500x40xi32, #tpu.memory_space<hbm>>
      %dma_wait3A_69 = tpu.memref_squeeze %dma_wait3A_68 : memref<1x500x40xi32, #tpu.memory_space<hbm>> -> memref<500x40xi32, #tpu.memory_space<hbm>>
      %dma_wait3A_70 = arith.constant 0 : i32
      %dma_wait3A_71 = tpu.memref_slice %arg4[%dma_wait3A_66, %mul3A_65, %dma_wait3A_70] : memref<2x8000x40xi32, #tpu.memory_space<hbm>> -> memref<1x500x40xi32, #tpu.memory_space<hbm>>
      %dma_wait3A_72 = tpu.memref_squeeze %dma_wait3A_71 : memref<1x500x40xi32, #tpu.memory_space<hbm>> -> memref<500x40xi32, #tpu.memory_space<hbm>>
      tpu.wait_dma2 semaphore(%arg15 : memref<!tpu.dma_semaphore, #tpu.memory_space<semaphore_mem>>) src(%dma_wait3A_72 : memref<500x40xi32, #tpu.memory_space<hbm>>) dst(%arg9 : memref<500x40xi32, #tpu.memory_space<vmem>>)
    } else {
    }
    %barrier3A = arith.constant 0 : index
    tpu.barrier barrier_id(%barrier3A)
    %dma_start3A = arith.constant 0 : i32
    %dma_start3A_10 = arith.constant 0 : i32
    %dma_start3A_11 = tpu.memref_slice %arg8[%dma_start3A, %dma_start3A_10] : memref<500x40xi32, #tpu.memory_space<vmem>> -> memref<1x40xi32, #tpu.memory_space<vmem>>
    %dma_start3A_12 = tpu.memref_squeeze %dma_start3A_11 : memref<1x40xi32, #tpu.memory_space<vmem>> -> memref<40xi32, #tpu.memory_space<vmem>>
    %dma_start3A_13 = arith.constant 0 : i32
    %dma_start3A_14 = arith.constant 0 : i32
    %dma_start3A_15 = tpu.memref_slice %arg6[%dma_start3A_13, %dma_start3A_14] : memref<10000x64xf32, #tpu.memory_space<vmem_shared>> -> memref<10000x64xf32, #tpu.memory_space<vmem_shared>>
    tpu.enqueue_indirect_dma source(%dma_start3A_15 : memref<10000x64xf32, #tpu.memory_space<vmem_shared>>) target(%arg10 : memref<40x64xf32, #tpu.memory_space<vmem>>) offsets(%dma_start3A_12 : memref<40xi32, #tpu.memory_space<vmem>>) semaphore(%arg12 : memref<!tpu.dma_semaphore, #tpu.memory_space<semaphore_mem>>)
    %scan3A = arith.constant 0 : i32
    %scan3A_16 = arith.constant 0 : i32
    %scan3A_17 = arith.constant 250 : i32
    %scan3A_18 = arith.addi %scan3A_16, %scan3A_17 : i32
    %scan3A_19 = arith.constant 1 : i32
    scf.for %scan3A_22 = %scan3A_16 to %scan3A_18 step %scan3A_19  : i32 {
      %mul3A_23 = arith.constant 2 : i32
      %mul3A_24 = arith.muli %scan3A_22, %mul3A_23 : i32
      %dma_wait3A = arith.constant 0 : i32
      %dma_wait3A_25 = tpu.memref_slice %arg8[%mul3A_24, %dma_wait3A] : memref<500x40xi32, #tpu.memory_space<vmem>> -> memref<1x40xi32, #tpu.memory_space<vmem>>
      %dma_wait3A_26 = tpu.memref_squeeze %dma_wait3A_25 : memref<1x40xi32, #tpu.memory_space<vmem>> -> memref<40xi32, #tpu.memory_space<vmem>>
      %dma_wait3A_27 = arith.constant 0 : i32
      %dma_wait3A_28 = arith.constant 0 : i32
      %dma_wait3A_29 = tpu.memref_slice %arg6[%dma_wait3A_27, %dma_wait3A_28] : memref<10000x64xf32, #tpu.memory_space<vmem_shared>> -> memref<10000x64xf32, #tpu.memory_space<vmem_shared>>
      tpu.wait_indirect_dma semaphore(%arg12 : memref<!tpu.dma_semaphore, #tpu.memory_space<semaphore_mem>>) src(%dma_wait3A_29 : memref<10000x64xf32, #tpu.memory_space<vmem_shared>>) dst(%arg10 : memref<40x64xf32, #tpu.memory_space<vmem>>)
      %add3A = arith.constant 1 : i32
      %add3A_30 = arith.addi %mul3A_24, %add3A : i32
      %dma_start3A_31 = arith.constant 0 : i32
      %dma_start3A_32 = tpu.memref_slice %arg8[%add3A_30, %dma_start3A_31] : memref<500x40xi32, #tpu.memory_space<vmem>> -> memref<1x40xi32, #tpu.memory_space<vmem>>
      %dma_start3A_33 = tpu.memref_squeeze %dma_start3A_32 : memref<1x40xi32, #tpu.memory_space<vmem>> -> memref<40xi32, #tpu.memory_space<vmem>>
      %dma_start3A_34 = arith.constant 0 : i32
      %dma_start3A_35 = arith.constant 0 : i32
      %dma_start3A_36 = tpu.memref_slice %arg6[%dma_start3A_34, %dma_start3A_35] : memref<10000x64xf32, #tpu.memory_space<vmem_shared>> -> memref<10000x64xf32, #tpu.memory_space<vmem_shared>>
      tpu.enqueue_indirect_dma source(%dma_start3A_36 : memref<10000x64xf32, #tpu.memory_space<vmem_shared>>) target(%arg11 : memref<40x64xf32, #tpu.memory_space<vmem>>) offsets(%dma_start3A_33 : memref<40xi32, #tpu.memory_space<vmem>>) semaphore(%arg13 : memref<!tpu.dma_semaphore, #tpu.memory_space<semaphore_mem>>)
      "tpu.region"() ({
        %run_scoped3A = tpu.sem_alloc : memref<!tpu.dma_semaphore, #tpu.memory_space<semaphore_mem>>
        %dma_start3A_53 = arith.constant 0 : i32
        %dma_start3A_54 = tpu.memref_slice %arg9[%mul3A_24, %dma_start3A_53] : memref<500x40xi32, #tpu.memory_space<vmem>> -> memref<1x40xi32, #tpu.memory_space<vmem>>
        %dma_start3A_55 = tpu.memref_squeeze %dma_start3A_54 : memref<1x40xi32, #tpu.memory_space<vmem>> -> memref<40xi32, #tpu.memory_space<vmem>>
        %dma_start3A_56 = arith.constant 0 : i32
        %dma_start3A_57 = arith.constant 0 : i32
        %dma_start3A_58 = tpu.memref_slice %arg7[%dma_start3A_56, %dma_start3A_57] : memref<10000x64xf32, #tpu.memory_space<vmem_shared>> -> memref<10000x64xf32, #tpu.memory_space<vmem_shared>>
        tpu.enqueue_indirect_dma source(%arg10 : memref<40x64xf32, #tpu.memory_space<vmem>>) target(%dma_start3A_58 : memref<10000x64xf32, #tpu.memory_space<vmem_shared>>) offsets(%dma_start3A_55 : memref<40xi32, #tpu.memory_space<vmem>>) semaphore(%run_scoped3A : memref<!tpu.dma_semaphore, #tpu.memory_space<semaphore_mem>>) {add = true}
        %dma_wait3A_59 = arith.constant 0 : i32
        %dma_wait3A_60 = tpu.memref_slice %arg9[%mul3A_24, %dma_wait3A_59] : memref<500x40xi32, #tpu.memory_space<vmem>> -> memref<1x40xi32, #tpu.memory_space<vmem>>
        %dma_wait3A_61 = tpu.memref_squeeze %dma_wait3A_60 : memref<1x40xi32, #tpu.memory_space<vmem>> -> memref<40xi32, #tpu.memory_space<vmem>>
        %dma_wait3A_62 = arith.constant 0 : i32
        %dma_wait3A_63 = arith.constant 0 : i32
        %dma_wait3A_64 = tpu.memref_slice %arg7[%dma_wait3A_62, %dma_wait3A_63] : memref<10000x64xf32, #tpu.memory_space<vmem_shared>> -> memref<10000x64xf32, #tpu.memory_space<vmem_shared>>
        tpu.wait_indirect_dma semaphore(%run_scoped3A : memref<!tpu.dma_semaphore, #tpu.memory_space<semaphore_mem>>) src(%arg10 : memref<40x64xf32, #tpu.memory_space<vmem>>) dst(%dma_wait3A_64 : memref<10000x64xf32, #tpu.memory_space<vmem_shared>>)
        tpu.yield
      }) : () -> ()
      %add3A_37 = arith.constant 1 : i32
      %add3A_38 = arith.addi %mul3A_24, %add3A_37 : i32
      %dma_wait3A_39 = arith.constant 0 : i32
      %dma_wait3A_40 = tpu.memref_slice %arg8[%add3A_38, %dma_wait3A_39] : memref<500x40xi32, #tpu.memory_space<vmem>> -> memref<1x40xi32, #tpu.memory_space<vmem>>
      %dma_wait3A_41 = tpu.memref_squeeze %dma_wait3A_40 : memref<1x40xi32, #tpu.memory_space<vmem>> -> memref<40xi32, #tpu.memory_space<vmem>>
      %dma_wait3A_42 = arith.constant 0 : i32
      %dma_wait3A_43 = arith.constant 0 : i32
      %dma_wait3A_44 = tpu.memref_slice %arg6[%dma_wait3A_42, %dma_wait3A_43] : memref<10000x64xf32, #tpu.memory_space<vmem_shared>> -> memref<10000x64xf32, #tpu.memory_space<vmem_shared>>
      tpu.wait_indirect_dma semaphore(%arg13 : memref<!tpu.dma_semaphore, #tpu.memory_space<semaphore_mem>>) src(%dma_wait3A_44 : memref<10000x64xf32, #tpu.memory_space<vmem_shared>>) dst(%arg11 : memref<40x64xf32, #tpu.memory_space<vmem>>)
      %add3A_45 = arith.constant 2 : i32
      %add3A_46 = arith.addi %mul3A_24, %add3A_45 : i32
      %lt3A = arith.constant 500 : i32
      %lt3A_47 = arith.cmpi slt, %add3A_46, %lt3A : i32
      %convert_element_type3A_48 = arith.extui %lt3A_47 : i1 to i32
      %cond3A_49 = arith.constant 0 : i32
      %cond3A_50 = arith.cmpi ne, %convert_element_type3A_48, %cond3A_49 : i32
      scf.if %cond3A_50 {
        %add3A_53 = arith.constant 2 : i32
        %add3A_54 = arith.addi %mul3A_24, %add3A_53 : i32
        %dma_start3A_55 = arith.constant 0 : i32
        %dma_start3A_56 = tpu.memref_slice %arg8[%add3A_54, %dma_start3A_55] : memref<500x40xi32, #tpu.memory_space<vmem>> -> memref<1x40xi32, #tpu.memory_space<vmem>>
        %dma_start3A_57 = tpu.memref_squeeze %dma_start3A_56 : memref<1x40xi32, #tpu.memory_space<vmem>> -> memref<40xi32, #tpu.memory_space<vmem>>
        %dma_start3A_58 = arith.constant 0 : i32
        %dma_start3A_59 = arith.constant 0 : i32
        %dma_start3A_60 = tpu.memref_slice %arg6[%dma_start3A_58, %dma_start3A_59] : memref<10000x64xf32, #tpu.memory_space<vmem_shared>> -> memref<10000x64xf32, #tpu.memory_space<vmem_shared>>
        tpu.enqueue_indirect_dma source(%dma_start3A_60 : memref<10000x64xf32, #tpu.memory_space<vmem_shared>>) target(%arg10 : memref<40x64xf32, #tpu.memory_space<vmem>>) offsets(%dma_start3A_57 : memref<40xi32, #tpu.memory_space<vmem>>) semaphore(%arg12 : memref<!tpu.dma_semaphore, #tpu.memory_space<semaphore_mem>>)
      } else {
      }
      %add3A_51 = arith.constant 1 : i32
      %add3A_52 = arith.addi %mul3A_24, %add3A_51 : i32
      "tpu.region"() ({
        %run_scoped3A = tpu.sem_alloc : memref<!tpu.dma_semaphore, #tpu.memory_space<semaphore_mem>>
        %dma_start3A_53 = arith.constant 0 : i32
        %dma_start3A_54 = tpu.memref_slice %arg9[%add3A_52, %dma_start3A_53] : memref<500x40xi32, #tpu.memory_space<vmem>> -> memref<1x40xi32, #tpu.memory_space<vmem>>
        %dma_start3A_55 = tpu.memref_squeeze %dma_start3A_54 : memref<1x40xi32, #tpu.memory_space<vmem>> -> memref<40xi32, #tpu.memory_space<vmem>>
        %dma_start3A_56 = arith.constant 0 : i32
        %dma_start3A_57 = arith.constant 0 : i32
        %dma_start3A_58 = tpu.memref_slice %arg7[%dma_start3A_56, %dma_start3A_57] : memref<10000x64xf32, #tpu.memory_space<vmem_shared>> -> memref<10000x64xf32, #tpu.memory_space<vmem_shared>>
        tpu.enqueue_indirect_dma source(%arg11 : memref<40x64xf32, #tpu.memory_space<vmem>>) target(%dma_start3A_58 : memref<10000x64xf32, #tpu.memory_space<vmem_shared>>) offsets(%dma_start3A_55 : memref<40xi32, #tpu.memory_space<vmem>>) semaphore(%run_scoped3A : memref<!tpu.dma_semaphore, #tpu.memory_space<semaphore_mem>>) {add = true}
        %dma_wait3A_59 = arith.constant 0 : i32
        %dma_wait3A_60 = tpu.memref_slice %arg9[%add3A_52, %dma_wait3A_59] : memref<500x40xi32, #tpu.memory_space<vmem>> -> memref<1x40xi32, #tpu.memory_space<vmem>>
        %dma_wait3A_61 = tpu.memref_squeeze %dma_wait3A_60 : memref<1x40xi32, #tpu.memory_space<vmem>> -> memref<40xi32, #tpu.memory_space<vmem>>
        %dma_wait3A_62 = arith.constant 0 : i32
        %dma_wait3A_63 = arith.constant 0 : i32
        %dma_wait3A_64 = tpu.memref_slice %arg7[%dma_wait3A_62, %dma_wait3A_63] : memref<10000x64xf32, #tpu.memory_space<vmem_shared>> -> memref<10000x64xf32, #tpu.memory_space<vmem_shared>>
        tpu.wait_indirect_dma semaphore(%run_scoped3A : memref<!tpu.dma_semaphore, #tpu.memory_space<semaphore_mem>>) src(%arg11 : memref<40x64xf32, #tpu.memory_space<vmem>>) dst(%dma_wait3A_64 : memref<10000x64xf32, #tpu.memory_space<vmem_shared>>)
        tpu.yield
      }) : () -> ()
    }
    %scan3A_20 = arith.constant 250 : i32
    %barrier3A_21 = arith.constant 0 : index
    tpu.barrier barrier_id(%barrier3A_21)
    "tpu.region"() ({
      %run_scoped3A = tpu.sem_alloc : memref<!tpu.dma_semaphore, #tpu.memory_space<semaphore_mem>>
      %dma_start3A_22 = tpu.memref_slice %arg5[%mul3A_0, %mul3A_2] : memref<10000x128xf32, #tpu.memory_space<hbm>> -> memref<625x64xf32, #tpu.memory_space<hbm>>
      %dma_start3A_23 = arith.constant 0 : i32
      %dma_start3A_24 = tpu.memref_slice %arg7[%mul3A_0, %dma_start3A_23] : memref<10000x64xf32, #tpu.memory_space<vmem_shared>> -> memref<625x64xf32, #tpu.memory_space<vmem_shared>>
      tpu.enqueue_dma source(%dma_start3A_24 : memref<625x64xf32, #tpu.memory_space<vmem_shared>>) target(%dma_start3A_22 : memref<625x64xf32, #tpu.memory_space<hbm>>) target_semaphore(%run_scoped3A : memref<!tpu.dma_semaphore, #tpu.memory_space<semaphore_mem>>)
      %dma_wait3A = tpu.memref_slice %arg5[%mul3A_0, %mul3A_2] : memref<10000x128xf32, #tpu.memory_space<hbm>> -> memref<625x64xf32, #tpu.memory_space<hbm>>
      %dma_wait3A_25 = arith.constant 0 : i32
      %dma_wait3A_26 = tpu.memref_slice %arg7[%mul3A_0, %dma_wait3A_25] : memref<10000x64xf32, #tpu.memory_space<vmem_shared>> -> memref<625x64xf32, #tpu.memory_space<vmem_shared>>
      tpu.wait_dma2 semaphore(%run_scoped3A : memref<!tpu.dma_semaphore, #tpu.memory_space<semaphore_mem>>) src(%dma_wait3A_26 : memref<625x64xf32, #tpu.memory_space<vmem_shared>>) dst(%dma_wait3A : memref<625x64xf32, #tpu.memory_space<hbm>>)
      tpu.yield
    }) : () -> ()
    return
  }
}

#map = affine_map<(d0, d1) -> (0, 0, 0)>
module attributes {stable_mosaic.version = 14 : i64} {
  func.func @gcn_degrees(%arg0: i32, %arg1: i32, %arg2: memref<2x4000x80xi32, #tpu.memory_space<hbm>>, %arg3: memref<2x10000x16xf32, #tpu.memory_space<hbm>>, %arg4: memref<10000x16xf32, #tpu.memory_space<vmem_shared>>, %arg5: memref<125x80xi32, #tpu.memory_space<vmem>>, %arg6: memref<80x16xf32, #tpu.memory_space<vmem>>, %arg7: memref<625x16xf32, #tpu.memory_space<vmem>>) attributes {dimension_semantics = [#tpu.dimension_semantics<core_parallel>, #tpu.dimension_semantics<subcore_parallel>], iteration_bounds = array<i64: 2, 16>, scalar_prefetch = 0 : i64, scratch_operands = 4 : i64, tpu.core_type = #tpu.core_type<sc_vector_subcore>, window_params = [{transform_indices = #map}, {transform_indices = #map}]} {
    %mul3A = arith.constant 16 : i32
    %mul3A_0 = arith.muli %arg0, %mul3A : i32
    %add3A = arith.addi %mul3A_0, %arg1 : i32
    %mul3A_1 = arith.constant 625 : i32
    %mul3A_2 = arith.muli %arg1, %mul3A_1 : i32
    %scan3A = arith.constant 0 : i32
    %scan3A_3 = arith.constant 0 : i32
    %scan3A_4 = arith.constant 80 : i32
    %scan3A_5 = arith.addi %scan3A_3, %scan3A_4 : i32
    %scan3A_6 = arith.constant 1 : i32
    scf.for %scan3A_23 = %scan3A_3 to %scan3A_5 step %scan3A_6  : i32 {
      %broadcast_in_dim3A = arith.constant 1.000000e+00 : f32
      %broadcast_in_dim3A_24 = vector.broadcast %broadcast_in_dim3A : f32 to vector<16xf32>
      %swap3A = arith.index_cast %scan3A_23 : i32 to index
      %swap3A_25 = arith.constant 0 : index
      %swap3A_26 = tpu.vector_load %arg6[%swap3A, %swap3A_25] {strides = array<i32>} : memref<80x16xf32, #tpu.memory_space<vmem>>, vector<1x16xf32>,
      %swap3A_27 = vector.shape_cast %swap3A_26 : vector<1x16xf32> to vector<16xf32>
      %swap3A_28 = vector.shape_cast %broadcast_in_dim3A_24 : vector<16xf32> to vector<1x16xf32>
      tpu.vector_store %arg6[%swap3A, %swap3A_25], %swap3A_28 {strides = array<i32>} : memref<80x16xf32, #tpu.memory_space<vmem>>, vector<1x16xf32>,
    }
    %scan3A_7 = arith.constant 80 : i32
    %scan3A_8 = arith.constant 0 : i32
    %scan3A_9 = arith.constant 0 : i32
    %scan3A_10 = arith.constant 625 : i32
    %scan3A_11 = arith.addi %scan3A_9, %scan3A_10 : i32
    %scan3A_12 = arith.constant 1 : i32
    scf.for %scan3A_23 = %scan3A_9 to %scan3A_11 step %scan3A_12  : i32 {
      %broadcast_in_dim3A = arith.constant 0.000000e+00 : f32
      %broadcast_in_dim3A_24 = vector.broadcast %broadcast_in_dim3A : f32 to vector<16xf32>
      %swap3A = arith.index_cast %scan3A_23 : i32 to index
      %swap3A_25 = arith.constant 0 : index
      %swap3A_26 = tpu.vector_load %arg7[%swap3A, %swap3A_25] {strides = array<i32>} : memref<625x16xf32, #tpu.memory_space<vmem>>, vector<1x16xf32>,
      %swap3A_27 = vector.shape_cast %swap3A_26 : vector<1x16xf32> to vector<16xf32>
      %swap3A_28 = vector.shape_cast %broadcast_in_dim3A_24 : vector<16xf32> to vector<1x16xf32>
      tpu.vector_store %arg7[%swap3A, %swap3A_25], %swap3A_28 {strides = array<i32>} : memref<625x16xf32, #tpu.memory_space<vmem>>, vector<1x16xf32>,
    }
    %scan3A_13 = arith.constant 625 : i32
    "tpu.region"() ({
      %run_scoped3A_23 = tpu.sem_alloc : memref<!tpu.dma_semaphore, #tpu.memory_space<semaphore_mem>>
      %dma_start3A = arith.constant 0 : i32
      %dma_start3A_24 = tpu.memref_slice %arg4[%mul3A_2, %dma_start3A] : memref<10000x16xf32, #tpu.memory_space<vmem_shared>> -> memref<625x16xf32, #tpu.memory_space<vmem_shared>>
      %dma_start3A_25 = arith.constant 0 : i32
      %dma_start3A_26 = tpu.memref_slice %arg4[%mul3A_2, %dma_start3A_25] : memref<10000x16xf32, #tpu.memory_space<vmem_shared>> -> memref<625x16xf32, #tpu.memory_space<vmem_shared>>
      tpu.enqueue_dma source(%arg7 : memref<625x16xf32, #tpu.memory_space<vmem>>) target(%dma_start3A_26 : memref<625x16xf32, #tpu.memory_space<vmem_shared>>) target_semaphore(%run_scoped3A_23 : memref<!tpu.dma_semaphore, #tpu.memory_space<semaphore_mem>>)
      %dma_wait3A = arith.constant 0 : i32
      %dma_wait3A_27 = tpu.memref_slice %arg4[%mul3A_2, %dma_wait3A] : memref<10000x16xf32, #tpu.memory_space<vmem_shared>> -> memref<625x16xf32, #tpu.memory_space<vmem_shared>>
      %dma_wait3A_28 = arith.constant 0 : i32
      %dma_wait3A_29 = tpu.memref_slice %arg4[%mul3A_2, %dma_wait3A_28] : memref<10000x16xf32, #tpu.memory_space<vmem_shared>> -> memref<625x16xf32, #tpu.memory_space<vmem_shared>>
      tpu.wait_dma2 semaphore(%run_scoped3A_23 : memref<!tpu.dma_semaphore, #tpu.memory_space<semaphore_mem>>) src(%arg7 : memref<625x16xf32, #tpu.memory_space<vmem>>) dst(%dma_wait3A_29 : memref<625x16xf32, #tpu.memory_space<vmem_shared>>)
      tpu.yield
    }) : () -> ()
    %mul3A_14 = arith.constant 125 : i32
    %mul3A_15 = arith.muli %add3A, %mul3A_14 : i32
    %run_scoped3A = arith.constant 1 : i32
    "tpu.region"() ({
      %run_scoped3A_23 = tpu.sem_alloc : memref<!tpu.dma_semaphore, #tpu.memory_space<semaphore_mem>>
      %dma_start3A = arith.constant 0 : i32
      %dma_start3A_24 = tpu.memref_slice %arg2[%run_scoped3A, %mul3A_15, %dma_start3A] : memref<2x4000x80xi32, #tpu.memory_space<hbm>> -> memref<1x125x80xi32, #tpu.memory_space<hbm>>
      %dma_start3A_25 = tpu.memref_squeeze %dma_start3A_24 : memref<1x125x80xi32, #tpu.memory_space<hbm>> -> memref<125x80xi32, #tpu.memory_space<hbm>>
      %dma_start3A_26 = arith.constant 0 : i32
      %dma_start3A_27 = tpu.memref_slice %arg2[%run_scoped3A, %mul3A_15, %dma_start3A_26] : memref<2x4000x80xi32, #tpu.memory_space<hbm>> -> memref<1x125x80xi32, #tpu.memory_space<hbm>>
      %dma_start3A_28 = tpu.memref_squeeze %dma_start3A_27 : memref<1x125x80xi32, #tpu.memory_space<hbm>> -> memref<125x80xi32, #tpu.memory_space<hbm>>
      tpu.enqueue_dma source(%dma_start3A_28 : memref<125x80xi32, #tpu.memory_space<hbm>>) target(%arg5 : memref<125x80xi32, #tpu.memory_space<vmem>>) target_semaphore(%run_scoped3A_23 : memref<!tpu.dma_semaphore, #tpu.memory_space<semaphore_mem>>)
      %dma_wait3A = arith.constant 0 : i32
      %dma_wait3A_29 = tpu.memref_slice %arg2[%run_scoped3A, %mul3A_15, %dma_wait3A] : memref<2x4000x80xi32, #tpu.memory_space<hbm>> -> memref<1x125x80xi32, #tpu.memory_space<hbm>>
      %dma_wait3A_30 = tpu.memref_squeeze %dma_wait3A_29 : memref<1x125x80xi32, #tpu.memory_space<hbm>> -> memref<125x80xi32, #tpu.memory_space<hbm>>
      %dma_wait3A_31 = arith.constant 0 : i32
      %dma_wait3A_32 = tpu.memref_slice %arg2[%run_scoped3A, %mul3A_15, %dma_wait3A_31] : memref<2x4000x80xi32, #tpu.memory_space<hbm>> -> memref<1x125x80xi32, #tpu.memory_space<hbm>>
      %dma_wait3A_33 = tpu.memref_squeeze %dma_wait3A_32 : memref<1x125x80xi32, #tpu.memory_space<hbm>> -> memref<125x80xi32, #tpu.memory_space<hbm>>
      tpu.wait_dma2 semaphore(%run_scoped3A_23 : memref<!tpu.dma_semaphore, #tpu.memory_space<semaphore_mem>>) src(%dma_wait3A_33 : memref<125x80xi32, #tpu.memory_space<hbm>>) dst(%arg5 : memref<125x80xi32, #tpu.memory_space<vmem>>)
      tpu.yield
    }) : () -> ()
    %barrier3A = arith.constant 0 : index
    tpu.barrier barrier_id(%barrier3A)
    %scan3A_16 = arith.constant 0 : i32
    %scan3A_17 = arith.constant 0 : i32
    %scan3A_18 = arith.constant 125 : i32
    %scan3A_19 = arith.addi %scan3A_17, %scan3A_18 : i32
    %scan3A_20 = arith.constant 1 : i32
    scf.for %scan3A_23 = %scan3A_17 to %scan3A_19 step %scan3A_20  : i32 {
      "tpu.region"() ({
        %run_scoped3A_24 = tpu.sem_alloc : memref<!tpu.dma_semaphore, #tpu.memory_space<semaphore_mem>>
        %dma_start3A = arith.constant 0 : i32
        %dma_start3A_25 = tpu.memref_slice %arg5[%scan3A_23, %dma_start3A] : memref<125x80xi32, #tpu.memory_space<vmem>> -> memref<1x80xi32, #tpu.memory_space<vmem>>
        %dma_start3A_26 = tpu.memref_squeeze %dma_start3A_25 : memref<1x80xi32, #tpu.memory_space<vmem>> -> memref<80xi32, #tpu.memory_space<vmem>>
        %dma_start3A_27 = arith.constant 0 : i32
        %dma_start3A_28 = arith.constant 0 : i32
        %dma_start3A_29 = tpu.memref_slice %arg4[%dma_start3A_27, %dma_start3A_28] : memref<10000x16xf32, #tpu.memory_space<vmem_shared>> -> memref<10000x16xf32, #tpu.memory_space<vmem_shared>>
        tpu.enqueue_indirect_dma source(%arg6 : memref<80x16xf32, #tpu.memory_space<vmem>>) target(%dma_start3A_29 : memref<10000x16xf32, #tpu.memory_space<vmem_shared>>) offsets(%dma_start3A_26 : memref<80xi32, #tpu.memory_space<vmem>>) semaphore(%run_scoped3A_24 : memref<!tpu.dma_semaphore, #tpu.memory_space<semaphore_mem>>) {add = true}
        %dma_wait3A = arith.constant 0 : i32
        %dma_wait3A_30 = tpu.memref_slice %arg5[%scan3A_23, %dma_wait3A] : memref<125x80xi32, #tpu.memory_space<vmem>> -> memref<1x80xi32, #tpu.memory_space<vmem>>
        %dma_wait3A_31 = tpu.memref_squeeze %dma_wait3A_30 : memref<1x80xi32, #tpu.memory_space<vmem>> -> memref<80xi32, #tpu.memory_space<vmem>>
        %dma_wait3A_32 = arith.constant 0 : i32
        %dma_wait3A_33 = arith.constant 0 : i32
        %dma_wait3A_34 = tpu.memref_slice %arg4[%dma_wait3A_32, %dma_wait3A_33] : memref<10000x16xf32, #tpu.memory_space<vmem_shared>> -> memref<10000x16xf32, #tpu.memory_space<vmem_shared>>
        tpu.wait_indirect_dma semaphore(%run_scoped3A_24 : memref<!tpu.dma_semaphore, #tpu.memory_space<semaphore_mem>>) src(%arg6 : memref<80x16xf32, #tpu.memory_space<vmem>>) dst(%dma_wait3A_34 : memref<10000x16xf32, #tpu.memory_space<vmem_shared>>)
        tpu.yield
      }) : () -> ()
    }
    %scan3A_21 = arith.constant 125 : i32
    %barrier3A_22 = arith.constant 0 : index
    tpu.barrier barrier_id(%barrier3A_22)
    "tpu.region"() ({
      %run_scoped3A_23 = tpu.sem_alloc : memref<!tpu.dma_semaphore, #tpu.memory_space<semaphore_mem>>
      %dma_start3A = arith.constant 0 : i32
      %dma_start3A_24 = tpu.memref_slice %arg3[%arg0, %mul3A_2, %dma_start3A] : memref<2x10000x16xf32, #tpu.memory_space<hbm>> -> memref<1x625x16xf32, #tpu.memory_space<hbm>>
      %dma_start3A_25 = tpu.memref_squeeze %dma_start3A_24 : memref<1x625x16xf32, #tpu.memory_space<hbm>> -> memref<625x16xf32, #tpu.memory_space<hbm>>
      %dma_start3A_26 = arith.constant 0 : i32
      %dma_start3A_27 = tpu.memref_slice %arg4[%mul3A_2, %dma_start3A_26] : memref<10000x16xf32, #tpu.memory_space<vmem_shared>> -> memref<625x16xf32, #tpu.memory_space<vmem_shared>>
      tpu.enqueue_dma source(%dma_start3A_27 : memref<625x16xf32, #tpu.memory_space<vmem_shared>>) target(%dma_start3A_25 : memref<625x16xf32, #tpu.memory_space<hbm>>) target_semaphore(%run_scoped3A_23 : memref<!tpu.dma_semaphore, #tpu.memory_space<semaphore_mem>>)
      %dma_wait3A = arith.constant 0 : i32
      %dma_wait3A_28 = tpu.memref_slice %arg3[%arg0, %mul3A_2, %dma_wait3A] : memref<2x10000x16xf32, #tpu.memory_space<hbm>> -> memref<1x625x16xf32, #tpu.memory_space<hbm>>
      %dma_wait3A_29 = tpu.memref_squeeze %dma_wait3A_28 : memref<1x625x16xf32, #tpu.memory_space<hbm>> -> memref<625x16xf32, #tpu.memory_space<hbm>>
      %dma_wait3A_30 = arith.constant 0 : i32
      %dma_wait3A_31 = tpu.memref_slice %arg4[%mul3A_2, %dma_wait3A_30] : memref<10000x16xf32, #tpu.memory_space<vmem_shared>> -> memref<625x16xf32, #tpu.memory_space<vmem_shared>>
      tpu.wait_dma2 semaphore(%run_scoped3A_23 : memref<!tpu.dma_semaphore, #tpu.memory_space<semaphore_mem>>) src(%dma_wait3A_31 : memref<625x16xf32, #tpu.memory_space<vmem_shared>>) dst(%dma_wait3A_29 : memref<625x16xf32, #tpu.memory_space<hbm>>)
      tpu.yield
    }) : () -> ()
    return
  }
}

module attributes {stable_mosaic.version = 14 : i64} {
  func.func @_mm1_body(%arg0: i32, %arg1: memref<2000x128xf32, #tpu.memory_space<vmem>>, %arg2: memref<128x128xf32, #tpu.memory_space<vmem>>, %arg3: memref<2000x128xf32, #tpu.memory_space<vmem>>) attributes {dimension_semantics = [#tpu.dimension_semantics<arbitrary>], iteration_bounds = array<i64: 5>, scalar_prefetch = 0 : i64, scratch_operands = 0 : i64, tpu.core_type = #tpu.core_type<tc>, window_params = [{transform_indices = @transform_0, window_bounds = array<i64: 2000, 128>}, {pipeline_mode = #tpu.pipeline_mode<synchronous>, transform_indices = @transform_1, window_bounds = array<i64: 128, 128>}, {transform_indices = @transform_2, window_bounds = array<i64: 2000, 128>}]} {
    %get3A = arith.constant 0 : index
    %get3A_0 = arith.constant 0 : index
    %get3A_1 = vector.load %arg1[%get3A, %get3A_0] : memref<2000x128xf32, #tpu.memory_space<vmem>>, vector<2000x128xf32>
    %get3A_2 = arith.constant 0 : index
    %get3A_3 = arith.constant 0 : index
    %get3A_4 = vector.load %arg2[%get3A_2, %get3A_3] : memref<128x128xf32, #tpu.memory_space<vmem>>, vector<128x128xf32>
    %dot_general3A = arith.constant dense<0.000000e+00> : vector<2000x128xf32>
    %dot_general3A_5 = tpu.matmul %get3A_1, %get3A_4, %dot_general3A {dimension_numbers = #tpu.dot_dimension_numbers<[1], [0], [0], [1], [0, 0, 1, 1], [], []>, precision = #tpu.contract_precision<fp32>, transpose_lhs_hint = false} : vector<2000x128xf32>, vector<128x128xf32>, vector<2000x128xf32> -> vector<2000x128xf32>
    %swap3A = arith.constant 0 : index
    %swap3A_6 = arith.constant 0 : index
    %swap3A_7 = vector.load %arg3[%swap3A, %swap3A_6] : memref<2000x128xf32, #tpu.memory_space<vmem>>, vector<2000x128xf32>
    tpu.vector_store %arg3[%swap3A, %swap3A_6], %dot_general3A_5 {strides = array<i32>} : memref<2000x128xf32, #tpu.memory_space<vmem>>, vector<2000x128xf32>,
    return
  }
  func.func @transform_0(%arg0: i32) -> (i32, i32) {
    %c0_i32 = arith.constant 0 : i32
    %c0_i32_0 = arith.constant 0 : i32
    return %arg0, %c0_i32 : i32, i32
  }
  func.func @transform_1(%arg0: i32) -> (i32, i32) {
    %c0_i32 = arith.constant 0 : i32
    %c0_i32_0 = arith.constant 0 : i32
    %c0_i32_1 = arith.constant 0 : i32
    return %c0_i32, %c0_i32_0 : i32, i32
  }
  func.func @transform_2(%arg0: i32) -> (i32, i32) {
    %c0_i32 = arith.constant 0 : i32
    %c0_i32_0 = arith.constant 0 : i32
    return %arg0, %c0_i32 : i32, i32
  }
}

module attributes {stable_mosaic.version = 14 : i64} {
  func.func @_tc1_body(%arg0: i32, %arg1: memref<2x2000x16xf32, #tpu.memory_space<vmem>>, %arg2: memref<2000x128xf32, #tpu.memory_space<vmem>>, %arg3: memref<2000x64xf32, #tpu.memory_space<vmem>>, %arg4: memref<2000x64xf32, #tpu.memory_space<vmem>>) attributes {dimension_semantics = [#tpu.dimension_semantics<arbitrary>], iteration_bounds = array<i64: 5>, scalar_prefetch = 0 : i64, scratch_operands = 0 : i64, tpu.core_type = #tpu.core_type<tc>, window_params = [{transform_indices = @transform_0, window_bounds = array<i64: 2, 2000, 16>}, {transform_indices = @transform_1, window_bounds = array<i64: 2000, 128>}, {transform_indices = @transform_2, window_bounds = array<i64: 2000, 64>}, {transform_indices = @transform_3, window_bounds = array<i64: 2000, 64>}]} {
    %get3A = arith.constant 0 : index
    %get3A_0 = arith.constant 0 : index
    %get3A_1 = arith.constant 0 : index
    %get3A_2 = vector.load %arg1[%get3A, %get3A_0, %get3A_1] : memref<2x2000x16xf32, #tpu.memory_space<vmem>>, vector<1x2000x1xf32>
    %get3A_3 = vector.shape_cast %get3A_2 : vector<1x2000x1xf32> to vector<2000xf32>
    %get3A_4 = arith.constant 1 : index
    %get3A_5 = arith.constant 0 : index
    %get3A_6 = arith.constant 0 : index
    %get3A_7 = vector.load %arg1[%get3A_4, %get3A_5, %get3A_6] : memref<2x2000x16xf32, #tpu.memory_space<vmem>>, vector<1x2000x1xf32>
    %get3A_8 = vector.shape_cast %get3A_7 : vector<1x2000x1xf32> to vector<2000xf32>
    %add3A = arith.addf %get3A_3, %get3A_8 : vector<2000xf32>
    %add3A_9 = arith.constant 1.000000e+00 : f32
    %add3A_10 = vector.broadcast %add3A_9 : f32 to vector<2000xf32>
    %add3A_11 = arith.addf %add3A, %add3A_10 : vector<2000xf32>
    %rsqrt3A = math.rsqrt %add3A_11 : vector<2000xf32>
    %get3A_12 = arith.constant 0 : index
    %get3A_13 = arith.constant 0 : index
    %get3A_14 = vector.load %arg2[%get3A_12, %get3A_13] : memref<2000x128xf32, #tpu.memory_space<vmem>>, vector<2000x128xf32>
    %broadcast_in_dim3A = vector.shape_cast %rsqrt3A : vector<2000xf32> to vector<2000x1xf32>
    %mul3A = vector.broadcast %broadcast_in_dim3A : vector<2000x1xf32> to vector<2000x128xf32>
    %mul3A_15 = arith.mulf %get3A_14, %mul3A : vector<2000x128xf32>
    %slice3A = vector.extract_strided_slice %mul3A_15 {offsets = [0, 0], sizes = [2000, 64], strides = [1, 1]} : vector<2000x128xf32> to vector<2000x64xf32>
    %swap3A = arith.constant 0 : index
    %swap3A_16 = arith.constant 0 : index
    %swap3A_17 = vector.load %arg3[%swap3A, %swap3A_16] : memref<2000x64xf32, #tpu.memory_space<vmem>>, vector<2000x64xf32>
    tpu.vector_store %arg3[%swap3A, %swap3A_16], %slice3A {strides = array<i32>} : memref<2000x64xf32, #tpu.memory_space<vmem>>, vector<2000x64xf32>,
    %slice3A_18 = vector.extract_strided_slice %mul3A_15 {offsets = [0, 64], sizes = [2000, 64], strides = [1, 1]} : vector<2000x128xf32> to vector<2000x64xf32>
    %swap3A_19 = arith.constant 0 : index
    %swap3A_20 = arith.constant 0 : index
    %swap3A_21 = vector.load %arg4[%swap3A_19, %swap3A_20] : memref<2000x64xf32, #tpu.memory_space<vmem>>, vector<2000x64xf32>
    tpu.vector_store %arg4[%swap3A_19, %swap3A_20], %slice3A_18 {strides = array<i32>} : memref<2000x64xf32, #tpu.memory_space<vmem>>, vector<2000x64xf32>,
    return
  }
  func.func @transform_0(%arg0: i32) -> (i32, i32, i32) {
    %c0_i32 = arith.constant 0 : i32
    %c0_i32_0 = arith.constant 0 : i32
    %c0_i32_1 = arith.constant 0 : i32
    return %c0_i32, %arg0, %c0_i32_0 : i32, i32, i32
  }
  func.func @transform_1(%arg0: i32) -> (i32, i32) {
    %c0_i32 = arith.constant 0 : i32
    %c0_i32_0 = arith.constant 0 : i32
    return %arg0, %c0_i32 : i32, i32
  }
  func.func @transform_2(%arg0: i32) -> (i32, i32) {
    %c0_i32 = arith.constant 0 : i32
    %c0_i32_0 = arith.constant 0 : i32
    return %arg0, %c0_i32 : i32, i32
  }
  func.func @transform_3(%arg0: i32) -> (i32, i32) {
    %c0_i32 = arith.constant 0 : i32
    %c0_i32_0 = arith.constant 0 : i32
    return %arg0, %c0_i32 : i32, i32
  }
}

module attributes {stable_mosaic.version = 14 : i64} {
  func.func @_tc2_body(%arg0: i32, %arg1: memref<2x2000x16xf32, #tpu.memory_space<vmem>>, %arg2: memref<2000x128xf32, #tpu.memory_space<vmem>>, %arg3: memref<1x128xf32, #tpu.memory_space<vmem>>, %arg4: memref<128x128xf32, #tpu.memory_space<vmem>>, %arg5: memref<2000x64xf32, #tpu.memory_space<vmem>>, %arg6: memref<2000x64xf32, #tpu.memory_space<vmem>>) attributes {dimension_semantics = [#tpu.dimension_semantics<arbitrary>], iteration_bounds = array<i64: 5>, scalar_prefetch = 0 : i64, scratch_operands = 0 : i64, tpu.core_type = #tpu.core_type<tc>, window_params = [{transform_indices = @transform_0, window_bounds = array<i64: 2, 2000, 16>}, {transform_indices = @transform_1, window_bounds = array<i64: 2000, 128>}, {pipeline_mode = #tpu.pipeline_mode<synchronous>, transform_indices = @transform_2, window_bounds = array<i64: 1, 128>}, {pipeline_mode = #tpu.pipeline_mode<synchronous>, transform_indices = @transform_3, window_bounds = array<i64: 128, 128>}, {transform_indices = @transform_4, window_bounds = array<i64: 2000, 64>}, {transform_indices = @transform_5, window_bounds = array<i64: 2000, 64>}]} {
    %get3A = arith.constant 0 : index
    %get3A_0 = arith.constant 0 : index
    %get3A_1 = arith.constant 0 : index
    %get3A_2 = vector.load %arg1[%get3A, %get3A_0, %get3A_1] : memref<2x2000x16xf32, #tpu.memory_space<vmem>>, vector<1x2000x1xf32>
    %get3A_3 = vector.shape_cast %get3A_2 : vector<1x2000x1xf32> to vector<2000xf32>
    %get3A_4 = arith.constant 1 : index
    %get3A_5 = arith.constant 0 : index
    %get3A_6 = arith.constant 0 : index
    %get3A_7 = vector.load %arg1[%get3A_4, %get3A_5, %get3A_6] : memref<2x2000x16xf32, #tpu.memory_space<vmem>>, vector<1x2000x1xf32>
    %get3A_8 = vector.shape_cast %get3A_7 : vector<1x2000x1xf32> to vector<2000xf32>
    %add3A = arith.addf %get3A_3, %get3A_8 : vector<2000xf32>
    %add3A_9 = arith.constant 1.000000e+00 : f32
    %add3A_10 = vector.broadcast %add3A_9 : f32 to vector<2000xf32>
    %add3A_11 = arith.addf %add3A, %add3A_10 : vector<2000xf32>
    %rsqrt3A = math.rsqrt %add3A_11 : vector<2000xf32>
    %get3A_12 = arith.constant 0 : index
    %get3A_13 = arith.constant 0 : index
    %get3A_14 = vector.load %arg2[%get3A_12, %get3A_13] : memref<2000x128xf32, #tpu.memory_space<vmem>>, vector<2000x128xf32>
    %broadcast_in_dim3A = vector.shape_cast %rsqrt3A : vector<2000xf32> to vector<2000x1xf32>
    %mul3A = vector.broadcast %broadcast_in_dim3A : vector<2000x1xf32> to vector<2000x128xf32>
    %mul3A_15 = arith.mulf %get3A_14, %mul3A : vector<2000x128xf32>
    %get3A_16 = arith.constant 0 : index
    %get3A_17 = arith.constant 0 : index
    %get3A_18 = vector.load %arg3[%get3A_16, %get3A_17] : memref<1x128xf32, #tpu.memory_space<vmem>>, vector<1x128xf32>
    %add3A_19 = vector.broadcast %get3A_18 : vector<1x128xf32> to vector<2000x128xf32>
    %add3A_20 = arith.addf %mul3A_15, %add3A_19 : vector<2000x128xf32>
    %max3A = arith.constant 0.000000e+00 : f32
    %max3A_21 = vector.broadcast %max3A : f32 to vector<2000x128xf32>
    %max3A_22 = arith.maximumf %add3A_20, %max3A_21 : vector<2000x128xf32>
    %get3A_23 = arith.constant 0 : index
    %get3A_24 = arith.constant 0 : index
    %get3A_25 = vector.load %arg4[%get3A_23, %get3A_24] : memref<128x128xf32, #tpu.memory_space<vmem>>, vector<128x128xf32>
    %dot_general3A = arith.constant dense<0.000000e+00> : vector<2000x128xf32>
    %dot_general3A_26 = tpu.matmul %max3A_22, %get3A_25, %dot_general3A {dimension_numbers = #tpu.dot_dimension_numbers<[1], [0], [0], [1], [0, 0, 1, 1], [], []>, precision = #tpu.contract_precision<fp32>, transpose_lhs_hint = false} : vector<2000x128xf32>, vector<128x128xf32>, vector<2000x128xf32> -> vector<2000x128xf32>
    %broadcast_in_dim3A_27 = vector.shape_cast %rsqrt3A : vector<2000xf32> to vector<2000x1xf32>
    %mul3A_28 = vector.broadcast %broadcast_in_dim3A_27 : vector<2000x1xf32> to vector<2000x128xf32>
    %mul3A_29 = arith.mulf %dot_general3A_26, %mul3A_28 : vector<2000x128xf32>
    %slice3A = vector.extract_strided_slice %mul3A_29 {offsets = [0, 0], sizes = [2000, 64], strides = [1, 1]} : vector<2000x128xf32> to vector<2000x64xf32>
    %swap3A = arith.constant 0 : index
    %swap3A_30 = arith.constant 0 : index
    %swap3A_31 = vector.load %arg5[%swap3A, %swap3A_30] : memref<2000x64xf32, #tpu.memory_space<vmem>>, vector<2000x64xf32>
    tpu.vector_store %arg5[%swap3A, %swap3A_30], %slice3A {strides = array<i32>} : memref<2000x64xf32, #tpu.memory_space<vmem>>, vector<2000x64xf32>,
    %slice3A_32 = vector.extract_strided_slice %mul3A_29 {offsets = [0, 64], sizes = [2000, 64], strides = [1, 1]} : vector<2000x128xf32> to vector<2000x64xf32>
    %swap3A_33 = arith.constant 0 : index
    %swap3A_34 = arith.constant 0 : index
    %swap3A_35 = vector.load %arg6[%swap3A_33, %swap3A_34] : memref<2000x64xf32, #tpu.memory_space<vmem>>, vector<2000x64xf32>
    tpu.vector_store %arg6[%swap3A_33, %swap3A_34], %slice3A_32 {strides = array<i32>} : memref<2000x64xf32, #tpu.memory_space<vmem>>, vector<2000x64xf32>,
    return
  }
  func.func @transform_0(%arg0: i32) -> (i32, i32, i32) {
    %c0_i32 = arith.constant 0 : i32
    %c0_i32_0 = arith.constant 0 : i32
    %c0_i32_1 = arith.constant 0 : i32
    return %c0_i32, %arg0, %c0_i32_0 : i32, i32, i32
  }
  func.func @transform_1(%arg0: i32) -> (i32, i32) {
    %c0_i32 = arith.constant 0 : i32
    %c0_i32_0 = arith.constant 0 : i32
    return %arg0, %c0_i32 : i32, i32
  }
  func.func @transform_2(%arg0: i32) -> (i32, i32) {
    %c0_i32 = arith.constant 0 : i32
    %c0_i32_0 = arith.constant 0 : i32
    %c0_i32_1 = arith.constant 0 : i32
    return %c0_i32, %c0_i32_0 : i32, i32
  }
  func.func @transform_3(%arg0: i32) -> (i32, i32) {
    %c0_i32 = arith.constant 0 : i32
    %c0_i32_0 = arith.constant 0 : i32
    %c0_i32_1 = arith.constant 0 : i32
    return %c0_i32, %c0_i32_0 : i32, i32
  }
  func.func @transform_4(%arg0: i32) -> (i32, i32) {
    %c0_i32 = arith.constant 0 : i32
    %c0_i32_0 = arith.constant 0 : i32
    return %arg0, %c0_i32 : i32, i32
  }
  func.func @transform_5(%arg0: i32) -> (i32, i32) {
    %c0_i32 = arith.constant 0 : i32
    %c0_i32_0 = arith.constant 0 : i32
    return %arg0, %c0_i32 : i32, i32
  }
}

module attributes {stable_mosaic.version = 14 : i64} {
  func.func @_tc3_body(%arg0: i32, %arg1: memref<2x2000x16xf32, #tpu.memory_space<vmem>>, %arg2: memref<2000x128xf32, #tpu.memory_space<vmem>>, %arg3: memref<1x128xf32, #tpu.memory_space<vmem>>, %arg4: memref<128x40xf32, #tpu.memory_space<vmem>>, %arg5: memref<1x40xf32, #tpu.memory_space<vmem>>, %arg6: memref<2000x40xf32, #tpu.memory_space<vmem>>) attributes {dimension_semantics = [#tpu.dimension_semantics<arbitrary>], iteration_bounds = array<i64: 5>, scalar_prefetch = 0 : i64, scratch_operands = 0 : i64, tpu.core_type = #tpu.core_type<tc>, window_params = [{transform_indices = @transform_0, window_bounds = array<i64: 2, 2000, 16>}, {transform_indices = @transform_1, window_bounds = array<i64: 2000, 128>}, {pipeline_mode = #tpu.pipeline_mode<synchronous>, transform_indices = @transform_2, window_bounds = array<i64: 1, 128>}, {pipeline_mode = #tpu.pipeline_mode<synchronous>, transform_indices = @transform_3, window_bounds = array<i64: 128, 40>}, {pipeline_mode = #tpu.pipeline_mode<synchronous>, transform_indices = @transform_4, window_bounds = array<i64: 1, 40>}, {transform_indices = @transform_5, window_bounds = array<i64: 2000, 40>}]} {
    %get3A = arith.constant 0 : index
    %get3A_0 = arith.constant 0 : index
    %get3A_1 = arith.constant 0 : index
    %get3A_2 = vector.load %arg1[%get3A, %get3A_0, %get3A_1] : memref<2x2000x16xf32, #tpu.memory_space<vmem>>, vector<1x2000x1xf32>
    %get3A_3 = vector.shape_cast %get3A_2 : vector<1x2000x1xf32> to vector<2000xf32>
    %get3A_4 = arith.constant 1 : index
    %get3A_5 = arith.constant 0 : index
    %get3A_6 = arith.constant 0 : index
    %get3A_7 = vector.load %arg1[%get3A_4, %get3A_5, %get3A_6] : memref<2x2000x16xf32, #tpu.memory_space<vmem>>, vector<1x2000x1xf32>
    %get3A_8 = vector.shape_cast %get3A_7 : vector<1x2000x1xf32> to vector<2000xf32>
    %add3A = arith.addf %get3A_3, %get3A_8 : vector<2000xf32>
    %add3A_9 = arith.constant 1.000000e+00 : f32
    %add3A_10 = vector.broadcast %add3A_9 : f32 to vector<2000xf32>
    %add3A_11 = arith.addf %add3A, %add3A_10 : vector<2000xf32>
    %rsqrt3A = math.rsqrt %add3A_11 : vector<2000xf32>
    %get3A_12 = arith.constant 0 : index
    %get3A_13 = arith.constant 0 : index
    %get3A_14 = vector.load %arg2[%get3A_12, %get3A_13] : memref<2000x128xf32, #tpu.memory_space<vmem>>, vector<2000x128xf32>
    %broadcast_in_dim3A = vector.shape_cast %rsqrt3A : vector<2000xf32> to vector<2000x1xf32>
    %mul3A = vector.broadcast %broadcast_in_dim3A : vector<2000x1xf32> to vector<2000x128xf32>
    %mul3A_15 = arith.mulf %get3A_14, %mul3A : vector<2000x128xf32>
    %get3A_16 = arith.constant 0 : index
    %get3A_17 = arith.constant 0 : index
    %get3A_18 = vector.load %arg3[%get3A_16, %get3A_17] : memref<1x128xf32, #tpu.memory_space<vmem>>, vector<1x128xf32>
    %add3A_19 = vector.broadcast %get3A_18 : vector<1x128xf32> to vector<2000x128xf32>
    %add3A_20 = arith.addf %mul3A_15, %add3A_19 : vector<2000x128xf32>
    %max3A = arith.constant 0.000000e+00 : f32
    %max3A_21 = vector.broadcast %max3A : f32 to vector<2000x128xf32>
    %max3A_22 = arith.maximumf %add3A_20, %max3A_21 : vector<2000x128xf32>
    %get3A_23 = arith.constant 0 : index
    %get3A_24 = arith.constant 0 : index
    %get3A_25 = vector.load %arg4[%get3A_23, %get3A_24] : memref<128x40xf32, #tpu.memory_space<vmem>>, vector<128x40xf32>
    %dot_general3A = arith.constant dense<0.000000e+00> : vector<2000x40xf32>
    %dot_general3A_26 = tpu.matmul %max3A_22, %get3A_25, %dot_general3A {dimension_numbers = #tpu.dot_dimension_numbers<[1], [0], [0], [1], [0, 0, 1, 1], [], []>, precision = #tpu.contract_precision<fp32>, transpose_lhs_hint = false} : vector<2000x128xf32>, vector<128x40xf32>, vector<2000x40xf32> -> vector<2000x40xf32>
    %get3A_27 = arith.constant 0 : index
    %get3A_28 = arith.constant 0 : index
    %get3A_29 = vector.load %arg5[%get3A_27, %get3A_28] : memref<1x40xf32, #tpu.memory_space<vmem>>, vector<1x40xf32>
    %add3A_30 = vector.broadcast %get3A_29 : vector<1x40xf32> to vector<2000x40xf32>
    %add3A_31 = arith.addf %dot_general3A_26, %add3A_30 : vector<2000x40xf32>
    %swap3A = arith.constant 0 : index
    %swap3A_32 = arith.constant 0 : index
    %swap3A_33 = vector.load %arg6[%swap3A, %swap3A_32] : memref<2000x40xf32, #tpu.memory_space<vmem>>, vector<2000x40xf32>
    tpu.vector_store %arg6[%swap3A, %swap3A_32], %add3A_31 {strides = array<i32>} : memref<2000x40xf32, #tpu.memory_space<vmem>>, vector<2000x40xf32>,
    return
  }
  func.func @transform_0(%arg0: i32) -> (i32, i32, i32) {
    %c0_i32 = arith.constant 0 : i32
    %c0_i32_0 = arith.constant 0 : i32
    %c0_i32_1 = arith.constant 0 : i32
    return %c0_i32, %arg0, %c0_i32_0 : i32, i32, i32
  }
  func.func @transform_1(%arg0: i32) -> (i32, i32) {
    %c0_i32 = arith.constant 0 : i32
    %c0_i32_0 = arith.constant 0 : i32
    return %arg0, %c0_i32 : i32, i32
  }
  func.func @transform_2(%arg0: i32) -> (i32, i32) {
    %c0_i32 = arith.constant 0 : i32
    %c0_i32_0 = arith.constant 0 : i32
    %c0_i32_1 = arith.constant 0 : i32
    return %c0_i32, %c0_i32_0 : i32, i32
  }
  func.func @transform_3(%arg0: i32) -> (i32, i32) {
    %c0_i32 = arith.constant 0 : i32
    %c0_i32_0 = arith.constant 0 : i32
    %c0_i32_1 = arith.constant 0 : i32
    return %c0_i32, %c0_i32_0 : i32, i32
  }
  func.func @transform_4(%arg0: i32) -> (i32, i32) {
    %c0_i32 = arith.constant 0 : i32
    %c0_i32_0 = arith.constant 0 : i32
    %c0_i32_1 = arith.constant 0 : i32
    return %c0_i32, %c0_i32_0 : i32, i32
  }
  func.func @transform_5(%arg0: i32) -> (i32, i32) {
    %c0_i32 = arith.constant 0 : i32
    %c0_i32_0 = arith.constant 0 : i32
    return %arg0, %c0_i32 : i32, i32
  }
}

</mosaic_0001>

<sc_bundles>
// kernel: gcn_degrees.3.cloned.1.call-start
scs
__scs_entry_jumppad:
0x0: {  	(pc) =	sbr.rel $0x88, $3  }
0x1: {  	(tag) =	ssettag $0x0;
	lr =	simm.s32 $0x1  }
0x2: {  	[smem:$0x3F99] =	sst lr;
	_ =	strace $0xD0000000  }
0x3: {  	_ = 	snop  }
0x4: {  	_ = 	snop  }
0x5: {  	_ = 	snop  }
0x6: {  	_ = 	snop  }
0x7: {  	_ = 	snop  }
__scs_overlays_trampoline_lowered:
0x8: {  	[smem:$0x3FA8] =	sst s0  }
0x9: {  	[smem:$0x3FA9] =	sst s1  }
0xa: {  	[smem:$0x3FAA] =	sst s2  }
0xb: {  	[smem:$0x3FAB] =	sst s3  }
0xc: {  	[smem:$0x3FAC] =	sst s4  }
0xd: {  	[smem:$0x3FAD] =	sst s5  }
0xe: {  	[smem:$0x3FAE] =	sst s6  }
0xf: {  	[smem:$0x3FAF] =	sst s7  }
0x10: {  	[smem:$0x3FB0] =	sst s8  }
0x11: {  	[smem:$0x3FB1] =	sst s9;
	s0 =	simm.s32 @!p0 $0x0  }
0x12: {  	s1 =	sld [smem:$0x3F97];
	s0 =	simm.s32 @p0 $0x1  }
0x13: {  	[smem:$0x3FB2] =	sst s0;
	s0 =	simm.s32 @!p1 $0x0  }
0x14: {  	s2 =	sld [smem:$0x3F96];
	s0 =	simm.s32 @p1 $0x1  }
0x15: {  	[smem:$0x3FB3] =	sst s0;
	s0 =	simm.s32 @!p2 $0x0  }
0x16: {  	s3 =	sld [smem:$0x3FDB];
	s0 =	simm.s32 @p2 $0x1  }
0x17: {  	s4 =	simm.s32 $0x1BF5;
	[smem:$0x3FB5] =	sst s0  }
0x18: {  	s0 =	sld [smem:$0x3F98];
	_ =	swait.ge [sflag:s4], $0x0  }
0x19: {  	s7 =	sld [smem:$0x3F99]  }
0x1a: {  	s8 =	sadd.s32 $0xFFFFE003, lr  }
0x1b: {  	s9 =	sadd.s32 $0xFFFFFEF7, lr;
	s5 =	simm.s32 $0xFFFFFFFF;
	p2 =	slt.u32 s8, $0xFFFFF086  }
0x1c: {  	p1 =	slt.u32 s9, $0xF7A;
	s5 =	simm.s32 @!p2 $0x0  }
0x1d: {  	s5 =	simm.s32 @p1 $0x1;
	p0 =	seq.s32 s7, s2  }
0x1e: {  	s7 =	smul.u32 @!p0 $0xF7A, s2;
	p2 =	seq.s32 @!p0 s5, $0x0  }
0x1f: {  	s9 =	smul.u32 $0xF7A, s1;
	s8 =	simm.s32 @!p0 $0x1BF5;
	p2 =	por !p2, p0  }
0x20: {  	[sflag:s8] =	ssyncset.s32 @!p0 $0xFFFFF086;
	s6 =	sadd.s32 @!p0 s3, s7;
	s7 =	simm.s32 @!p0 $0x108  }
0x21: {  	s3 =	sadd.s32 s3, s9;
	s6 =	sadd.s32 @!p0 $0x88, s6;
	s7 =	simm.s32 @p2 $0x1082  }
0x22: {  	[simem:s7], [sflag:s8] =	dma.local @!p0 [hbm:s6], $0xF7A  }
0x23: {  	s9 =	sor.u32 $0xD0000000, s2;
	s6 =	simm.s32 $0x108;
	_ =	swait.ge @!p0 [sflag:s8], $0x0  }
0x24: {  	s3 =	sadd.s32 $0x88, s3;
	s6 =	simm.s32 @!p1 $0x1082;
	[sflag:s4] =	ssyncset.s32 $0xFFFFF086  }
0x25: {  	[simem:s6], [sflag:s4] =	dma.local [hbm:s3], $0xF7A  }
0x26: {  	[smem:$0x3F99] =	sst s1;
	(tag) =	ssettag s2;
	_ =	strace s9  }
0x27: {  	s1 =	sld [smem:$0x3FA9]  }
0x28: {  	s2 =	sld [smem:$0x3FAA]  }
0x29: {  	s4 =	sld [smem:$0x3FAC]  }
0x2a: {  	p0 =	seq.s32 s5, $0x0;
	s5 =	sld [smem:$0x3FAD]  }
0x2b: {  	s6 =	sld [smem:$0x3FAE]  }
0x2c: {  	s7 =	sld [smem:$0x3FAF]  }
0x2d: {  	s3 =	simm.s32 $0x108;
	s8 =	sld [smem:$0x3FB0]  }
0x2e: {  	s3 =	simm.s32 @!p0 $0x1082;
	s9 =	sld [smem:$0x3FB1]  }
0x2f: {  	lr =	sadd.s32 s0, s3;
	s0 =	sld [smem:$0x3FA8]  }
0x30: {  	s3 =	sld [smem:$0x3FAB]  }
0x31: {  	[smem:$0x3FB4] =	sst s10  }
0x32: {  	s10 =	sld [smem:$0x3FB2];
	_ =	sdelay $0x3  }
0x33: {  	p0 =	seq.s32 s10, $0x1;
	s10 =	sld [smem:$0x3FB4];
	_ =	sdelay $0x3  }
0x34: {  	[smem:$0x3FB4] =	sst s10  }
0x35: {  	s10 =	sld [smem:$0x3FB3];
	_ =	sdelay $0x3  }
0x36: {  	p1 =	seq.s32 s10, $0x1;
	s10 =	sld [smem:$0x3FB4];
	_ =	sdelay $0x3  }
0x37: {  	[smem:$0x3FB4] =	sst s10  }
0x38: {  	s10 =	sld [smem:$0x3FB5]  }
0x39: {  	_ = 	snop;
	(pc) =	sbr.ind lr, $3  }
0x3a: {  	_ = 	snop  }
0x3b: {  	_ = 	snop  }
0x3c: {  	p2 =	seq.s32 s10, $0x1;
	s10 =	sld [smem:$0x3FB4]  }
0x3d: {  	_ =	shalt  }
0x3e: {  	_ =	shalt  }
0x3f: {  	_ =	shalt  }
0x40: {  	_ =	shalt  }
0x41: {  	_ =	shalt  }
0x42: {  	_ =	shalt  }
0x43: {  	_ =	shalt  }
0x44: {  	_ =	shalt  }
0x45: {  	_ =	shalt  }
0x46: {  	_ =	shalt  }
0x47: {  	_ =	shalt  }
0x48: {  	_ =	shalt  }
0x49: {  	_ =	shalt  }
0x4a: {  	_ =	shalt  }
0x4b: {  	_ =	shalt  }
0x4c: {  	_ =	shalt  }
0x4d: {  	_ =	shalt  }
0x4e: {  	_ =	shalt  }
0x4f: {  	_ =	shalt  }
0x50: {  	_ =	shalt  }
0x51: {  	_ =	shalt  }
0x52: {  	_ =	shalt  }
0x53: {  	_ =	shalt  }
0x54: {  	_ =	shalt  }
0x55: {  	_ =	shalt  }
0x56: {  	_ =	shalt  }
0x57: {  	_ =	shalt  }
0x58: {  	_ =	shalt  }
0x59: {  	_ =	shalt  }
0x5a: {  	_ =	shalt  }
0x5b: {  	_ =	shalt  }
0x5c: {  	_ =	shalt  }
0x5d: {  	_ =	shalt  }
0x5e: {  	_ =	shalt  }
0x5f: {  	_ =	shalt  }
0x60: {  	_ =	shalt  }
0x61: {  	_ =	shalt  }
0x62: {  	_ =	shalt  }
0x63: {  	_ =	shalt  }
0x64: {  	_ =	shalt  }
0x65: {  	_ =	shalt  }
0x66: {  	_ =	shalt  }
0x67: {  	_ =	shalt  }
0x68: {  	_ =	shalt  }
0x69: {  	_ =	shalt  }
0x6a: {  	_ =	shalt  }
0x6b: {  	_ =	shalt  }
0x6c: {  	_ =	shalt  }
0x6d: {  	_ =	shalt  }
0x6e: {  	_ =	shalt  }
0x6f: {  	_ =	shalt  }
0x70: {  	_ =	shalt  }
0x71: {  	_ =	shalt  }
0x72: {  	_ =	shalt  }
0x73: {  	_ =	shalt  }
0x74: {  	_ =	shalt  }
0x75: {  	_ =	shalt  }
0x76: {  	_ =	shalt  }
0x77: {  	_ =	shalt  }
0x78: {  	_ =	shalt  }
0x79: {  	_ =	shalt  }
0x7a: {  	_ =	shalt  }
0x7b: {  	_ =	shalt  }
0x7c: {  	_ =	shalt  }
0x7d: {  	_ =	shalt  }
0x7e: {  	_ =	shalt  }
0x7f: {  	_ =	shalt  }
0x80: {  	_ =	shalt  }
0x81: {  	_ =	shalt  }
0x82: {  	_ =	shalt  }
0x83: {  	_ =	shalt  }
0x84: {  	_ =	shalt  }
0x85: {  	_ =	shalt  }
0x86: {  	_ =	shalt  }
0x87: {  	_ =	shalt  }
.Lfunc_end0:
.L_simem_size_0:
called_computation_lowered:
.L_overlay_start_0:
0x88: {  	s2 =	sld [smem:$0x3FD9]  }
0x89: {  	s3 =	sld [smem:$0x3FFE];
	_ =	sdelay $0x1  }
0x8a: {  	s1 =	srdreg.scid  }
0x8b: {  	s0 =	sand.u32 $0x1, s1  }
0x8c: {  	s17 =	sshll.u32 s0, $0xA;
	s2 =	sadd.s32 s3, s2  }
0x8d: {  	s2 =	sadd.s32 s2, s17  }
0x8e: {  	[smem:$0x3FC0] =	sst s2  }
0x8f: {  	_ = 	snop  }
0x90: {  	s2 =	sld [smem:$0x3FD0];
	(tm) =	ssettm $0x1  }
0x91: {  	s18 =	sld [smem:$0x3FFB];
	_ =	sdelay $0x3  }
0x92: {  	_ =	strace s18  }
0x93: {  	s3 =	sld [smem:$0x3FFC];
	_ =	sdelay $0x3  }
0x94: {  	_ =	strace s3  }
0x95: {  	s3 =	sld [smem:$0x3FFD];
	_ =	sdelay $0x3  }
0x96: {  	_ =	strace s3  }
0x97: {  	_ =	strace $0x8FFFFFFF  }
0x98: {  	s19 =	sld [smem:$0x3FDB];
	_ =	sdelay $0x1  }
0x99: {  	s4 =	simm.s32 $_scs_section_size  }
0x9a: {  	s5 =	simm.s32 $_size__tile_overlayer_lowered;
	s6 =	simm.s32 $_tile_overlayer_lowered  }
0x9b: {  	s22 =	simm.s32 $0x1BFF;
	s21 =	sshll.u32 s6, $0x1;
	s3 =	sadd.s32 s4, s19  }
0x9c: {  	s7 =	simm.s32 $0x0;
	s20 =	sshll.u32 s5, $0x1;
	s5 =	sadd.s32 s21, s3  }
0x9d: {  	[timem:s7], [sflag:s22] =	dma.local [hbm:s5], s20  }
0x9e: {  	_ =	swait.ge [sflag:s22], s20  }
0x9f: {  	s4 =	ssub.s32 $0x0, s20;
	[sflag:s22] =	ssyncset.done $0x0  }
0xa0: {  	[sflag:s22] =	ssyncadd.s32 s4;
	_ =	sdelay $0x1  }
0xa1: {  	s23 =	simm.s32 $0x1B8B  }
0xa2: {  	_ =	swait.ge [sflag:s23], $0x1  }
0xa3: {  	[sflag:s23] =	ssyncset.done $0x0  }
0xa4: {  	s25 =	simm.s32 $0x1B8E;
	s24 =	sld [smem:$0x3FFE];
	[sflag:s23] =	ssyncadd.s32 $0xFFFFFFFF  }
0xa5: {  	s26 =	simm.s32 $execute0_lowered;
	[smem:$0x3FD2] =	sst s25  }
0xa6: {  	s5 =	sshll.u32 s26, $0x1;
	_ =	strace $0x80000046;
	[dreg:$0x1] =	wrdreg $0xFFFFFFFF  }
0xa7: {  	s28 =	simm.s32 $_size_execute0_lowered;
	s3 =	sadd.s32 s3, s5;
	[dreg:$0x0] =	wrdreg $0x0  }
0xa8: {  	s5 =	sshll.u32 s28, $0x1;
	[dreg:$0x2] =	wrdreg s3  }
0xa9: {  	[dreg:$0x3] =	wrdreg s5  }
0xaa: {  	[dreg:$0x4] =	wrdreg $0xC0  }
0xab: {  	_ =	task [dreg:s7], $0x5FFFF  }
0xac: {  	[dreg:$0x1] =	wrdreg $0xFFFFFFFF  }
0xad: {  	[dreg:$0x0] =	wrdreg $0x60  }
0xae: {  	[dreg:$0x2] =	wrdreg s24  }
0xaf: {  	[dreg:$0x3] =	wrdreg s2  }
0xb0: {  	[dreg:$0x4] =	wrdreg $0x0  }
0xb1: {  	[dreg:$0x5] =	wrdreg $0x9  }
0xb2: {  	_ =	task.clear_ibuf [dreg:s7], $0x6FFFF;
	_ =	strace $0x90000046  }
0xb3: {  	s29 =	simm.s32 $0x9;
	_ =	strace $0x80000048  }
0xb4: {  	_ =	swait.ge [sflag:s29], $0x1  }
0xb5: {  	[sflag:s29] =	ssyncadd.s32 $0xFFFFFFFF  }
0xb6: {  	_ =	strace $0x90000048  }
0xb7: {  	_ =	sfence  }
0xb8: {  	s30 =	sld [smem:$0x0];
	_ =	sdelay $0x2  }
0xb9: {  	s31 =	sshll.u32 s1, $0xD;
	s1 =	sshrl.u32 s1, $0x2  }
0xba: {  	s3 =	sand.u32 $0x4000, s31;
	s1 =	sadd.s32 s1, s30  }
0xbb: {  	s0 =	sor.u32 s3, s0;
	s1 =	sshll.u32 s1, $0x11  }
0xbc: {  	s0 =	sor.u32 s1, s0  }
0xbd: {  	s0 =	sadd.s32 $0x8F2B, s0  }
0xbe: {  	[sflag:s0] =	ssyncadd.remote.s32 $0x1  }
0xbf: {  	_ =	sfence.sel $0xFFFF  }
0xc0: {  	[dreg:$0x0] =	wrdreg $0xFFFFFFFF;
	(pc) =	sbr.abs _section_cstart, $3  }
0xc1: {  	[dreg:$0x1] =	wrdreg $0xFFFFFFFF  }
0xc2: {  	_ =	task.clear_ibuf [dreg:s7], $0x2FFFF;
	_ =	strace $0x9FFFFFFF  }
0xc3: {  	(tm) =	ssettm $0x7FFFFFFF  }
tec
execute0_lowered:
.L_overlay_start_1:
0x0: {  	(tag) =	ssettag $0x1  }
0x1: {  	s4 =	rddreg [dreg:$0x0]  }
0x2: {  	s6 =	rddreg [dreg:$0x1]  }
0x3: {  	s0 =	srdreg.scid;
	s2 =	rddreg [dreg:$0x2]  }
0x4: {  	s3 =	simm.s32 $0x0;
	s5 =	sand.u32 $0x1, s0;
	s0 =	stileid.u32  }
0x5: {  	s11 =	simm.s32 $0x50;
	s12 =	simm.s32 $0x4E20;
	s8 =	smul.u32 $0x2710, s0  }
0x6: {  	[smem:$0x7FF] =	sst s3;
	s1 =	sshll.u32 s5, $0x4;
	s9 =	smul.u32 $0x27100, s5  }
0x7: {  	s5 =	ssub.s32 $0x2, s5;
	s13 =	sshll.u32 s0, $0x6;
	s7 =	sor.u32 s0, s1  }
0x8: {  	s1 =	rddreg [dreg:$0x3];
	_ =	strace $0x80000047;
	s7 =	smul.u32 $0x2710, s7  }
0x9: {  	s10 =	sshrl.u32 s5, $0x1;
	s13 =	sor.u32 $0x1C01, s13;
	s9 =	sadd.s32 s8, s9  }
0xa: {  	s10 =	ssub.s32 s5, s10;
	s31 =	sshrl.u32 s9, $0x3;
	s7 =	sshrl.u32 s7, $0x3  }
0xb: {  	s9 =	simm.s32 $0x1;
	s6 =	sadd.s32 s6, s31;
	s30 =	sadd.s32 s4, s7  }
0xc: {  	s4 =	sadd.s32 s8, s2;
	s7 =	smax.u32 s10, $0x1;
	s8 =	simm.s32 $0x5320  }
0xd: {  	v0 =	vimm.f32 $1.000000000e+00;
	v1 =	vimm.f32 $0.0e+00;
	s10 =	simm.s32 $0x2710;
	s5 =	sadd.s32 $0xD040, s30;
	s14 =	sshrl.u32 s4, $0x3  }
.LBB2_1:
0xe: {  	s15 =	simm.s32 $0x0  }
.LBB2_2:
0xf: {  	p0 =	sne.s32 s15, $0x13C0  }
.Ltmp0:
0x10: {  	_ = 	snop;
	(pc) =	sbr.rel @p0 .LBB2_2-.Ltmp0, $3  }
0x11: {  	_ =	sdelay $0x1  }
0x12: {  	s16 =	sshra.s32 s15, $0x2  }
0x13: {  	s15 =	sadd.s32 $0x40, s15;
	[tilespmem:s16+$0x4E20] =	vst v0  }
0x14: {  	s15 =	simm.s32 $0x40;
	s16 =	simm.s32 $0x0  }
.LBB2_4:
0x15: {  	p0 =	sne.s32 s15, $0x9C00;
	[tilespmem:s16+$0x5320] =	vst v1;
	s16 =	smov.u32 s15;
	s15 =	sadd.s32 $0x40, s15  }
.Ltmp1:
0x16: {  	(pc) =	sbr.rel @p0 .LBB2_4-.Ltmp1, $2  }
0x17: {  	_ =	sdelay $0x2  }
0x18: {  	s16 =	sshra.s32 s16, $0x2  }
0x19: {  	[tilespmem:s16+$0x5320] =	vst v1  }
0x1a: {  	[spmem:s4] =	stream.linear.scatter [tilespmem:s8], [sflag:$0x1], $0x2710, $0x38;
	[tilespmem:$0x7A30] =	vst v63  }
0x1b: {  	_ =	swait.ge [sflag:s9], $0x2710  }
0x1c: {  	[sflag:s9] =	ssyncset.done $0x0  }
0x1d: {  	s15 =	simm.s32 $0x0;
	[sflag:s9] =	ssyncadd.s32 $0xFFFFD8F0  }
0x1e: {  	[tilespmem:s10], [sflag:$0x1] =	stream.linear.gather [hbm4b:s5+s15], $0x2710, $0x38;
	[tilespmem:$0x7A30] =	vst v63  }
0x1f: {  	_ =	swait.ge [sflag:s9], $0x2710  }
0x20: {  	[sflag:s9] =	ssyncset.done $0x0  }
0x21: {  	[sflag:s9] =	ssyncadd.s32 $0xFFFFD8F0  }
0x22: {  	s31 =	simm.s32 $0x2710;
	[bflag:$0x0] =	sbarrier.arrive $0xFFFF  }
0x23: {  	[spmem:s2] =	stream.indirect.scatter.add.f32 [tilespmem:s12], [sflag:$0x1], $0x10, s31, s11, $0xb8;
	[tilespmem:$0x7A30] =	vst v63  }
0x24: {  	s15 =	simm.s32 $0x140;
	_ =	swait.ge [sflag:s9], $0x500  }
.LBB2_6:
0x25: {  	s16 =	sshra.s32 s15, $0x2;
	[sflag:s9] =	ssyncset.done $0x0;
	p0 =	sne.s32 s15, $0x9B00  }
.Ltmp2:
0x26: {  	s16 =	sadd.s32 $0x2710, s16;
	[sflag:s9] =	ssyncadd.s32 $0xFFFFFB00;
	(pc) =	sbr.rel @p0 .LBB2_6-.Ltmp2, $3  }
0x27: {  	[spmem:s2] =	stream.indirect.scatter.add.f32 [tilespmem:s12], [sflag:$0x1], $0x10, s16, s11, $0xb8;
	[tilespmem:$0x7A30] =	vst v63  }
0x28: {  	s15 =	sadd.s32 $0x140, s15;
	_ =	sdelay $0x1  }
0x29: {  	_ =	swait.ge [sflag:s9], $0x500  }
0x2a: {  	[sflag:s9] =	ssyncset.done $0x0;
	s3 =	sadd.s32 $0x1, s3  }
0x2b: {  	[sflag:s9] =	ssyncadd.s32 $0xFFFFFB00;
	p0 =	sne.s32 s3, s7  }
.Ltmp3:
0x2c: {  	[bflag:$0x0] =	sbarrier.arrive $0xFFFF;
	(pc) =	sbr.rel @p0 .LBB2_1-.Ltmp3, $4  }
0x2d: {  	[hbm:s6], [sflag:s13] =	dma.local [spmem:s14], $0x4E2  }
0x2e: {  	_ =	swait.ge [sflag:s9], $0x4E2  }
0x2f: {  	[sflag:s9] =	ssyncset.done $0x0  }
0x30: {  	[sflag:s9] =	ssyncadd.s32 $0xFFFFFB1E  }
0x31: {  	_ =	sfence.sel $0x180000  }
0x32: {  	[bflag:$0x0] =	sbarrier.arrive $0xFFFF  }
0x33: {  	p0 =	sne.s32 s0, $0x0;
	_ =	strace $0x90000047  }
0x34: {  	s0 =	sadd.s32 @!p0 $0x100000, s1;
	[bflag:$0x2] =	sbarrier.arrive $0xFFFF  }
0x35: {  	[sflag:s0] =	ssyncadd.tile.s32 @!p0 $0x1;
	_ =	shalt  }
.Lfunc_end2:
_tile_overlayer_lowered:
.L_overlay_start_2:
0x36: {  	(tag) =	ssettag $0x2  }
0x37: {  	s0 =	rddreg [dreg:$0x0];
	s2 =	stileid.u32  }
0x38: {  	s1 =	rddreg [dreg:$0x1];
	p0 =	sne.s32 s2, $0x0  }
0x39: {  	s3 =	rddreg [dreg:$0x2];
	[bflag:$0x3] =	sbarrier.arrive $0xFFFF;
	s2 =	simm.s32 @!p0 $0x1C01  }
0x3a: {  	[timem:s3], [sflag:s2] =	dma.local @!p0 [hbm:s0], s1  }
0x3b: {  	s0 =	simm.s32 @!p0 $0x1  }
0x3c: {  	_ =	swait.ge @!p0 [sflag:s0], s1  }
0x3d: {  	s1 =	ssub.s32 @!p0 $0x0, s1;
	[sflag:s0] =	ssyncset.done @!p0 $0x0  }
0x3e: {  	[sflag:s0] =	ssyncadd.s32 @!p0 s1  }
0x3f: {  	[bflag:$0x3] =	sbarrier.arrive $0xFFFF  }
0x40: {  	_ =	shalt  }

// kernel: gcn_propagate.4.cloned.1.call-start
scs
__scs_entry_jumppad:
0x0: {  	(pc) =	sbr.rel $0x88, $3  }
0x1: {  	(tag) =	ssettag $0x0;
	lr =	simm.s32 $0x1  }
0x2: {  	[smem:$0x3F99] =	sst lr;
	_ =	strace $0xD0000000  }
0x3: {  	_ = 	snop  }
0x4: {  	_ = 	snop  }
0x5: {  	_ = 	snop  }
0x6: {  	_ = 	snop  }
0x7: {  	_ = 	snop  }
__scs_overlays_trampoline_lowered:
0x8: {  	[smem:$0x3FA8] =	sst s0  }
0x9: {  	[smem:$0x3FA9] =	sst s1  }
0xa: {  	[smem:$0x3FAA] =	sst s2  }
0xb: {  	[smem:$0x3FAB] =	sst s3  }
0xc: {  	[smem:$0x3FAC] =	sst s4  }
0xd: {  	[smem:$0x3FAD] =	sst s5  }
0xe: {  	[smem:$0x3FAE] =	sst s6  }
0xf: {  	[smem:$0x3FAF] =	sst s7  }
0x10: {  	[smem:$0x3FB0] =	sst s8  }
0x11: {  	[smem:$0x3FB1] =	sst s9;
	s0 =	simm.s32 @!p0 $0x0  }
0x12: {  	s1 =	sld [smem:$0x3F97];
	s0 =	simm.s32 @p0 $0x1  }
0x13: {  	[smem:$0x3FB2] =	sst s0;
	s0 =	simm.s32 @!p1 $0x0  }
0x14: {  	s2 =	sld [smem:$0x3F96];
	s0 =	simm.s32 @p1 $0x1  }
0x15: {  	[smem:$0x3FB3] =	sst s0;
	s0 =	simm.s32 @!p2 $0x0  }
0x16: {  	s3 =	sld [smem:$0x3FDB];
	s0 =	simm.s32 @p2 $0x1  }
0x17: {  	s4 =	simm.s32 $0x1BF5;
	[smem:$0x3FB5] =	sst s0  }
0x18: {  	s0 =	sld [smem:$0x3F98];
	_ =	swait.ge [sflag:s4], $0x0  }
0x19: {  	s7 =	sld [smem:$0x3F99]  }
0x1a: {  	s8 =	sadd.s32 $0xFFFFE003, lr  }
0x1b: {  	s9 =	sadd.s32 $0xFFFFFEF7, lr;
	s5 =	simm.s32 $0xFFFFFFFF;
	p2 =	slt.u32 s8, $0xFFFFF086  }
0x1c: {  	p1 =	slt.u32 s9, $0xF7A;
	s5 =	simm.s32 @!p2 $0x0  }
0x1d: {  	s5 =	simm.s32 @p1 $0x1;
	p0 =	seq.s32 s7, s2  }
0x1e: {  	s7 =	smul.u32 @!p0 $0xF7A, s2;
	p2 =	seq.s32 @!p0 s5, $0x0  }
0x1f: {  	s9 =	smul.u32 $0xF7A, s1;
	s8 =	simm.s32 @!p0 $0x1BF5;
	p2 =	por !p2, p0  }
0x20: {  	[sflag:s8] =	ssyncset.s32 @!p0 $0xFFFFF086;
	s6 =	sadd.s32 @!p0 s3, s7;
	s7 =	simm.s32 @!p0 $0x108  }
0x21: {  	s3 =	sadd.s32 s3, s9;
	s6 =	sadd.s32 @!p0 $0x88, s6;
	s7 =	simm.s32 @p2 $0x1082  }
0x22: {  	[simem:s7], [sflag:s8] =	dma.local @!p0 [hbm:s6], $0xF7A  }
0x23: {  	s9 =	sor.u32 $0xD0000000, s2;
	s6 =	simm.s32 $0x108;
	_ =	swait.ge @!p0 [sflag:s8], $0x0  }
0x24: {  	s3 =	sadd.s32 $0x88, s3;
	s6 =	simm.s32 @!p1 $0x1082;
	[sflag:s4] =	ssyncset.s32 $0xFFFFF086  }
0x25: {  	[simem:s6], [sflag:s4] =	dma.local [hbm:s3], $0xF7A  }
0x26: {  	[smem:$0x3F99] =	sst s1;
	(tag) =	ssettag s2;
	_ =	strace s9  }
0x27: {  	s1 =	sld [smem:$0x3FA9]  }
0x28: {  	s2 =	sld [smem:$0x3FAA]  }
0x29: {  	s4 =	sld [smem:$0x3FAC]  }
0x2a: {  	p0 =	seq.s32 s5, $0x0;
	s5 =	sld [smem:$0x3FAD]  }
0x2b: {  	s6 =	sld [smem:$0x3FAE]  }
0x2c: {  	s7 =	sld [smem:$0x3FAF]  }
0x2d: {  	s3 =	simm.s32 $0x108;
	s8 =	sld [smem:$0x3FB0]  }
0x2e: {  	s3 =	simm.s32 @!p0 $0x1082;
	s9 =	sld [smem:$0x3FB1]  }
0x2f: {  	lr =	sadd.s32 s0, s3;
	s0 =	sld [smem:$0x3FA8]  }
0x30: {  	s3 =	sld [smem:$0x3FAB]  }
0x31: {  	[smem:$0x3FB4] =	sst s10  }
0x32: {  	s10 =	sld [smem:$0x3FB2];
	_ =	sdelay $0x3  }
0x33: {  	p0 =	seq.s32 s10, $0x1;
	s10 =	sld [smem:$0x3FB4];
	_ =	sdelay $0x3  }
0x34: {  	[smem:$0x3FB4] =	sst s10  }
0x35: {  	s10 =	sld [smem:$0x3FB3];
	_ =	sdelay $0x3  }
0x36: {  	p1 =	seq.s32 s10, $0x1;
	s10 =	sld [smem:$0x3FB4];
	_ =	sdelay $0x3  }
0x37: {  	[smem:$0x3FB4] =	sst s10  }
0x38: {  	s10 =	sld [smem:$0x3FB5]  }
0x39: {  	_ = 	snop;
	(pc) =	sbr.ind lr, $3  }
0x3a: {  	_ = 	snop  }
0x3b: {  	_ = 	snop  }
0x3c: {  	p2 =	seq.s32 s10, $0x1;
	s10 =	sld [smem:$0x3FB4]  }
0x3d: {  	_ =	shalt  }
0x3e: {  	_ =	shalt  }
0x3f: {  	_ =	shalt  }
0x40: {  	_ =	shalt  }
0x41: {  	_ =	shalt  }
0x42: {  	_ =	shalt  }
0x43: {  	_ =	shalt  }
0x44: {  	_ =	shalt  }
0x45: {  	_ =	shalt  }
0x46: {  	_ =	shalt  }
0x47: {  	_ =	shalt  }
0x48: {  	_ =	shalt  }
0x49: {  	_ =	shalt  }
0x4a: {  	_ =	shalt  }
0x4b: {  	_ =	shalt  }
0x4c: {  	_ =	shalt  }
0x4d: {  	_ =	shalt  }
0x4e: {  	_ =	shalt  }
0x4f: {  	_ =	shalt  }
0x50: {  	_ =	shalt  }
0x51: {  	_ =	shalt  }
0x52: {  	_ =	shalt  }
0x53: {  	_ =	shalt  }
0x54: {  	_ =	shalt  }
0x55: {  	_ =	shalt  }
0x56: {  	_ =	shalt  }
0x57: {  	_ =	shalt  }
0x58: {  	_ =	shalt  }
0x59: {  	_ =	shalt  }
0x5a: {  	_ =	shalt  }
0x5b: {  	_ =	shalt  }
0x5c: {  	_ =	shalt  }
0x5d: {  	_ =	shalt  }
0x5e: {  	_ =	shalt  }
0x5f: {  	_ =	shalt  }
0x60: {  	_ =	shalt  }
0x61: {  	_ =	shalt  }
0x62: {  	_ =	shalt  }
0x63: {  	_ =	shalt  }
0x64: {  	_ =	shalt  }
0x65: {  	_ =	shalt  }
0x66: {  	_ =	shalt  }
0x67: {  	_ =	shalt  }
0x68: {  	_ =	shalt  }
0x69: {  	_ =	shalt  }
0x6a: {  	_ =	shalt  }
0x6b: {  	_ =	shalt  }
0x6c: {  	_ =	shalt  }
0x6d: {  	_ =	shalt  }
0x6e: {  	_ =	shalt  }
0x6f: {  	_ =	shalt  }
0x70: {  	_ =	shalt  }
0x71: {  	_ =	shalt  }
0x72: {  	_ =	shalt  }
0x73: {  	_ =	shalt  }
0x74: {  	_ =	shalt  }
0x75: {  	_ =	shalt  }
0x76: {  	_ =	shalt  }
0x77: {  	_ =	shalt  }
0x78: {  	_ =	shalt  }
0x79: {  	_ =	shalt  }
0x7a: {  	_ =	shalt  }
0x7b: {  	_ =	shalt  }
0x7c: {  	_ =	shalt  }
0x7d: {  	_ =	shalt  }
0x7e: {  	_ =	shalt  }
0x7f: {  	_ =	shalt  }
0x80: {  	_ =	shalt  }
0x81: {  	_ =	shalt  }
0x82: {  	_ =	shalt  }
0x83: {  	_ =	shalt  }
0x84: {  	_ =	shalt  }
0x85: {  	_ =	shalt  }
0x86: {  	_ =	shalt  }
0x87: {  	_ =	shalt  }
.Lfunc_end0:
.L_simem_size_0:
called_computation.1_lowered:
.L_overlay_start_0:
0x88: {  	s2 =	sld [smem:$0x3FD9]  }
0x89: {  	s3 =	sld [smem:$0x3FFE];
	_ =	sdelay $0x1  }
0x8a: {  	s1 =	srdreg.scid  }
0x8b: {  	s0 =	sand.u32 $0x1, s1  }
0x8c: {  	s16 =	sshll.u32 s0, $0xA;
	s2 =	sadd.s32 s3, s2  }
0x8d: {  	s2 =	sadd.s32 s2, s16  }
0x8e: {  	[smem:$0x3FC0] =	sst s2  }
0x8f: {  	_ = 	snop  }
0x90: {  	(tm) =	ssettm $0x1  }
0x91: {  	s17 =	sld [smem:$0x3FFB];
	_ =	sdelay $0x3  }
0x92: {  	_ =	strace s17  }
0x93: {  	s2 =	sld [smem:$0x3FFC];
	_ =	sdelay $0x3  }
0x94: {  	_ =	strace s2  }
0x95: {  	s2 =	sld [smem:$0x3FFD];
	_ =	sdelay $0x3  }
0x96: {  	_ =	strace s2  }
0x97: {  	_ =	strace $0x8FFFFFFF  }
0x98: {  	s18 =	sld [smem:$0x3FDB];
	_ =	sdelay $0x1  }
0x99: {  	s19 =	simm.s32 $_scs_section_size  }
0x9a: {  	s4 =	simm.s32 $_size__tile_overlayer_lowered;
	s5 =	simm.s32 $_tile_overlayer_lowered  }
0x9b: {  	s22 =	simm.s32 $0x1BFF;
	s21 =	sshll.u32 s5, $0x1;
	s2 =	sadd.s32 s19, s18  }
0x9c: {  	s6 =	simm.s32 $0x0;
	s20 =	sshll.u32 s4, $0x1;
	s4 =	sadd.s32 s21, s2  }
0x9d: {  	[timem:s6], [sflag:s22] =	dma.local [hbm:s4], s20  }
0x9e: {  	_ =	swait.ge [sflag:s22], s20  }
0x9f: {  	s3 =	ssub.s32 $0x0, s20;
	[sflag:s22] =	ssyncset.done $0x0  }
0xa0: {  	[sflag:s22] =	ssyncadd.s32 s3;
	_ =	sdelay $0x1  }
0xa1: {  	s23 =	simm.s32 $0x1B8B  }
0xa2: {  	_ =	swait.ge [sflag:s23], $0x1  }
0xa3: {  	[sflag:s23] =	ssyncset.done $0x0  }
0xa4: {  	s25 =	simm.s32 $0x1B8E;
	s24 =	sld [smem:$0x3FFE];
	[sflag:s23] =	ssyncadd.s32 $0xFFFFFFFF  }
0xa5: {  	s26 =	simm.s32 $execute0_lowered;
	[smem:$0x3FD2] =	sst s25  }
0xa6: {  	s4 =	sshll.u32 s26, $0x1;
	_ =	strace $0x80000049;
	[dreg:$0x1] =	wrdreg $0xFFFFFFFF  }
0xa7: {  	s28 =	simm.s32 $_size_execute0_lowered;
	s2 =	sadd.s32 s2, s4;
	[dreg:$0x0] =	wrdreg $0x0  }
0xa8: {  	s4 =	sshll.u32 s28, $0x1;
	[dreg:$0x2] =	wrdreg s2  }
0xa9: {  	[dreg:$0x3] =	wrdreg s4  }
0xaa: {  	[dreg:$0x4] =	wrdreg $0xC0  }
0xab: {  	_ =	task [dreg:s6], $0x5FFFF  }
0xac: {  	[dreg:$0x1] =	wrdreg $0xFFFFFFFF  }
0xad: {  	[dreg:$0x0] =	wrdreg $0x60  }
0xae: {  	[dreg:$0x2] =	wrdreg s24  }
0xaf: {  	[dreg:$0x3] =	wrdreg $0x0  }
0xb0: {  	[dreg:$0x4] =	wrdreg $0x9C400  }
0xb1: {  	[dreg:$0x5] =	wrdreg $0x9  }
0xb2: {  	_ =	task.clear_ibuf [dreg:s6], $0x6FFFF;
	_ =	strace $0x90000049  }
0xb3: {  	s29 =	simm.s32 $0x9;
	_ =	strace $0x8000004B  }
0xb4: {  	_ =	swait.ge [sflag:s29], $0x1  }
0xb5: {  	[sflag:s29] =	ssyncadd.s32 $0xFFFFFFFF  }
0xb6: {  	_ =	strace $0x9000004B  }
0xb7: {  	_ =	sfence  }
0xb8: {  	s30 =	sld [smem:$0x0];
	_ =	sdelay $0x2  }
0xb9: {  	s31 =	sshll.u32 s1, $0xD;
	s1 =	sshrl.u32 s1, $0x2  }
0xba: {  	s3 =	sand.u32 $0x4000, s31;
	s1 =	sadd.s32 s1, s30  }
0xbb: {  	s0 =	sor.u32 s3, s0;
	s1 =	sshll.u32 s1, $0x11  }
0xbc: {  	s0 =	sor.u32 s1, s0  }
0xbd: {  	s0 =	sadd.s32 $0x8F2B, s0  }
0xbe: {  	[sflag:s0] =	ssyncadd.remote.s32 $0x1  }
0xbf: {  	_ =	sfence.sel $0xFFFF  }
0xc0: {  	[dreg:$0x0] =	wrdreg $0xFFFFFFFF;
	(pc) =	sbr.abs _section_cstart, $3  }
0xc1: {  	[dreg:$0x1] =	wrdreg $0xFFFFFFFF  }
0xc2: {  	_ =	task.clear_ibuf [dreg:s6], $0x2FFFF;
	_ =	strace $0x9FFFFFFF  }
0xc3: {  	(tm) =	ssettm $0x7FFFFFFF  }
tec
execute0_lowered:
.L_overlay_start_1:
0x0: {  	(tag) =	ssettag $0x1  }
0x1: {  	s0 =	rddreg [dreg:$0x0]  }
0x2: {  	s2 =	rddreg [dreg:$0x1]  }
0x3: {  	s3 =	rddreg [dreg:$0x2];
	s13 =	stileid.u32;
	s4 =	simm.s32 $0x0  }
0x4: {  	s5 =	srdreg.scid;
	s15 =	simm.s32 $0x13880;
	s17 =	simm.s32 $0x1  }
0x5: {  	s18 =	simm.s32 $0x2;
	s19 =	simm.s32 $0x3;
	s20 =	simm.s32 $0x4  }
0x6: {  	s21 =	simm.s32 $0x28;
	s22 =	simm.s32 $0x1D4C0;
	s23 =	simm.s32 $0x1DEC0  }
0x7: {  	s28 =	simm.s32 $0x1D470;
	s29 =	simm.s32 $0x1D498;
	s1 =	smul.u32 $0x4E20, s13  }
0x8: {  	s30 =	simm.s32 $0x10;
	s31 =	simm.s32 $0x8;
	s6 =	smul.u32 $0x13880, s13  }
0x9: {  	[smem:$0x7FF] =	sst s4;
	s5 =	sand.u32 $0x1, s5;
	s9 =	smul.u32 $0x9C40, s13  }
0xa: {  	s25 =	smul.u32 $0x27100, s13;
	_ =	strace $0x8000004A;
	s7 =	sshll.u32 s5, $0x6  }
0xb: {  	s24 =	ssub.s32 $0x2, s5;
	p0 =	seq.s32 s5, $0x1;
	s1 =	sshrl.u32 s1, $0x3  }
0xc: {  	s6 =	sor.u32 s7, s6;
	s8 =	sshrl.u32 s24, $0x1;
	s12 =	sadd.s32 s9, s2  }
0xd: {  	s11 =	sshrl.u32 s9, $0x3;
	s14 =	sadd.s32 s9, s3;
	s9 =	simm.s32 $0x65000  }
0xe: {  	s26 =	sshrl.u32 s25, $0x2;
	s1 =	sadd.s32 s1, s0;
	s6 =	sshrl.u32 s6, $0x3  }
0xf: {  	s8 =	ssub.s32 s24, s8;
	s9 =	simm.s32 @!p0 $0x78A00;
	s12 =	sshrl.u32 s12, $0x3  }
0x10: {  	s14 =	sshrl.u32 s14, $0x3;
	s24 =	simm.s32 $0x5;
	s10 =	sadd.s32 s6, s0  }
0x11: {  	s5 =	sadd.s32 $0x3400, s1;
	s6 =	sadd.s32 $0xD040, s1;
	s1 =	sadd.s32 s26, s3  }
0x12: {  	s0 =	sadd.s32 s9, s0;
	s8 =	smax.u32 s8, $0x1;
	s7 =	sadd.s32 $0x8C400, s10  }
0x13: {  	s9 =	sadd.s32 s0, s11;
	s10 =	sshll.u32 s13, $0x6;
	s25 =	sshrl.u32 s1, $0x3  }
0x14: {  	s0 =	simm.s32 $0x0;
	s11 =	sor.u32 $0x1C01, s10;
	s13 =	sor.u32 $0x1C02, s10  }
.LBB2_1:
0x15: {  	[spmem:s12], [sflag:s11] =	dma.local [hbm:s9], $0x1388  }
0x16: {  	[spmem:s14], [sflag:s13] =	dma.local [hbm:s9], $0x1388  }
0x17: {  	[tilespmem:s15], [sflag:$0x3] =	stream.linear.gather [hbm4b:s5+s4], $0x4E20, $0x38;
	[tilespmem:$0x1E8C0] =	vst v63  }
0x18: {  	s1 =	simm.s32 $0x186A0  }
0x19: {  	[tilespmem:s1], [sflag:$0x4] =	stream.linear.gather [hbm4b:s6+s4], $0x4E20, $0x38;
	[tilespmem:$0x1E8C0] =	vst v63  }
0x1a: {  	_ =	swait.ge [sflag:s17], $0x1388  }
0x1b: {  	[sflag:s17] =	ssyncset.done $0x0  }
0x1c: {  	[sflag:s17] =	ssyncadd.s32 $0xFFFFEC78  }
0x1d: {  	_ =	swait.ge [sflag:s18], $0x1388  }
0x1e: {  	[sflag:s18] =	ssyncset.done $0x0  }
0x1f: {  	[sflag:s18] =	ssyncadd.s32 $0xFFFFEC78  }
0x20: {  	_ =	swait.ge [sflag:s19], $0x4E20  }
0x21: {  	[sflag:s19] =	ssyncset.done $0x0  }
0x22: {  	[sflag:s19] =	ssyncadd.s32 $0xFFFFB1E0  }
0x23: {  	_ =	swait.ge [sflag:s20], $0x4E20  }
0x24: {  	[sflag:s20] =	ssyncset.done $0x0  }
0x25: {  	[sflag:s20] =	ssyncadd.s32 $0xFFFFB1E0  }
0x26: {  	[bflag:$0x0] =	sbarrier.arrive $0xFFFF  }
0x27: {  	[tilespmem:s22], [sflag:$0x1] =	stream.indirect.gather [spmem:s2], $0x40, s15, s21, $0xb8;
	[tilespmem:$0x1E8C0] =	vst v63  }
0x28: {  	_ =	swait.ge [sflag:s17], $0xA00  }
0x29: {  	[sflag:s17] =	ssyncset.done $0x0  }
0x2a: {  	s16 =	simm.s32 $0x138A8;
	[sflag:s17] =	ssyncadd.s32 $0xFFFFF600  }
0x2b: {  	[tilespmem:s23], [sflag:$0x2] =	stream.indirect.gather [spmem:s2], $0x40, s16, s21, $0xb8;
	[tilespmem:$0x1E8C0] =	vst v63  }
0x2c: {  	s26 =	simm.s32 $0x186A0  }
0x2d: {  	[spmem:s3] =	stream.indirect.scatter.add.f32 [tilespmem:s22], [sflag:$0x5], $0x40, s26, s21, $0xb8;
	[tilespmem:$0x1E8C0] =	vst v63  }
0x2e: {  	_ =	swait.ge [sflag:s24], $0xA00  }
0x2f: {  	[sflag:s24] =	ssyncset.done $0x0  }
0x30: {  	[sflag:s24] =	ssyncadd.s32 $0xFFFFF600  }
0x31: {  	_ =	swait.ge [sflag:s18], $0xA00  }
0x32: {  	[sflag:s18] =	ssyncset.done $0x0  }
0x33: {  	s16 =	simm.s32 $0x138D0;
	[sflag:s18] =	ssyncadd.s32 $0xFFFFF600  }
0x34: {  	[tilespmem:s22], [sflag:$0x1] =	stream.indirect.gather [spmem:s2], $0x40, s16, s21, $0xb8;
	[tilespmem:$0x1E8C0] =	vst v63  }
0x35: {  	s26 =	simm.s32 $0x186C8  }
0x36: {  	[spmem:s3] =	stream.indirect.scatter.add.f32 [tilespmem:s23], [sflag:$0x5], $0x40, s26, s21, $0xb8;
	[tilespmem:$0x1E8C0] =	vst v63  }
0x37: {  	_ =	swait.ge [sflag:s24], $0xA00  }
0x38: {  	s1 =	simm.s32 $0x140;
	[sflag:s24] =	ssyncset.done $0x0  }
.LBB2_2:
0x39: {  	p0 =	sne.s32 s1, $0x13600  }
0x3a: {  	[sflag:s24] =	ssyncadd.s32 $0xFFFFF600;
	s16 =	smov.u32 s1;
	s1 =	sadd.s32 $0x140, s1  }
0x3b: {  	_ = 	snop  }
0x3c: {  	_ =	swait.ge [sflag:s17], $0xA00  }
0x3d: {  	s16 =	sshra.s32 s16, $0x2;
	[sflag:s17] =	ssyncset.done $0x0  }
0x3e: {  	s26 =	sadd.s32 $0x138A8, s16;
	[sflag:s17] =	ssyncadd.s32 $0xFFFFF600  }
0x3f: {  	[tilespmem:s23], [sflag:$0x2] =	stream.indirect.gather [spmem:s2], $0x40, s26, s21, $0xb8;
	[tilespmem:$0x1E8C0] =	vst v63  }
0x40: {  	s26 =	sadd.s32 $0x186A0, s16  }
0x41: {  	[spmem:s3] =	stream.indirect.scatter.add.f32 [tilespmem:s22], [sflag:$0x5], $0x40, s26, s21, $0xb8;
	[tilespmem:$0x1E8C0] =	vst v63  }
0x42: {  	_ =	swait.ge [sflag:s24], $0xA00  }
0x43: {  	[sflag:s24] =	ssyncset.done $0x0  }
0x44: {  	[sflag:s24] =	ssyncadd.s32 $0xFFFFF600  }
0x45: {  	_ =	swait.ge [sflag:s18], $0xA00  }
0x46: {  	[sflag:s18] =	ssyncset.done $0x0  }
0x47: {  	s26 =	sadd.s32 $0x138D0, s16;
	[sflag:s18] =	ssyncadd.s32 $0xFFFFF600  }
0x48: {  	[tilespmem:s22], [sflag:$0x1] =	stream.indirect.gather [spmem:s2], $0x40, s26, s21, $0xb8;
	[tilespmem:$0x1E8C0] =	vst v63  }
.Ltmp0:
0x49: {  	_ = 	snop;
	(pc) =	sbr.rel @p0 .LBB2_2-.Ltmp0, $4  }
0x4a: {  	s16 =	sadd.s32 $0x186C8, s16  }
0x4b: {  	[spmem:s3] =	stream.indirect.scatter.add.f32 [tilespmem:s23], [sflag:$0x5], $0x40, s16, s21, $0xb8;
	[tilespmem:$0x1E8C0] =	vst v63  }
0x4c: {  	_ =	swait.ge [sflag:s24], $0xA00  }
0x4d: {  	[sflag:s24] =	ssyncset.done $0x0  }
0x4e: {  	[sflag:s24] =	ssyncadd.s32 $0xFFFFF600  }
0x4f: {  	_ =	swait.ge [sflag:s17], $0xA00  }
0x50: {  	[sflag:s17] =	ssyncset.done $0x0  }
0x51: {  	s1 =	simm.s32 $0x18678;
	[sflag:s17] =	ssyncadd.s32 $0xFFFFF600  }
0x52: {  	[tilespmem:s23], [sflag:$0x2] =	stream.indirect.gather [spmem:s2], $0x40, s1, s21, $0xb8;
	[tilespmem:$0x1E8C0] =	vst v63  }
0x53: {  	_ = 	snop  }
0x54: {  	[spmem:s3] =	stream.indirect.scatter.add.f32 [tilespmem:s22], [sflag:$0x5], $0x40, s28, s21, $0xb8;
	[tilespmem:$0x1E8C0] =	vst v63  }
0x55: {  	_ =	swait.ge [sflag:s24], $0xA00  }
0x56: {  	[sflag:s24] =	ssyncset.done $0x0  }
0x57: {  	[sflag:s24] =	ssyncadd.s32 $0xFFFFF600  }
0x58: {  	_ =	swait.ge [sflag:s18], $0xA00  }
0x59: {  	[sflag:s18] =	ssyncset.done $0x0  }
0x5a: {  	[sflag:s18] =	ssyncadd.s32 $0xFFFFF600  }
0x5b: {  	[spmem:s3] =	stream.indirect.scatter.add.f32 [tilespmem:s23], [sflag:$0x5], $0x40, s29, s21, $0xb8;
	[tilespmem:$0x1E8C0] =	vst v63  }
0x5c: {  	_ =	swait.ge [sflag:s24], $0xA00  }
0x5d: {  	s0 =	sadd.s32 $0x1, s0;
	[sflag:s24] =	ssyncset.done $0x0  }
0x5e: {  	p0 =	sne.s32 s0, s8;
	[sflag:s24] =	ssyncadd.s32 $0xFFFFF600  }
.Ltmp1:
0x5f: {  	s26 =	sor.u32 $0x1C05, s10;
	[bflag:$0x0] =	sbarrier.arrive $0xFFFF;
	(pc) =	sbr.rel @p0 .LBB2_1-.Ltmp1, $4  }
0x60: {  	[hbm:s7@s30], [sflag:s26] =	dma.strided [spmem:s25@s31], $0x1388, s17, $0x8   }
0x61: {  	_ =	swait.ge [sflag:s24], $0x1388  }
0x62: {  	[sflag:s24] =	ssyncset.done $0x0  }
0x63: {  	[sflag:s24] =	ssyncadd.s32 $0xFFFFEC78  }
0x64: {  	_ =	sfence.sel $0x180000  }
0x65: {  	[bflag:$0x0] =	sbarrier.arrive $0xFFFF  }
0x66: {  	_ =	strace $0x9000004A  }
0x67: {  	s0 =	stileid.u32;
	[bflag:$0x2] =	sbarrier.arrive $0xFFFF  }
0x68: {  	p0 =	sne.s32 s0, $0x0;
	s0 =	rddreg [dreg:$0x3]  }
0x69: {  	s0 =	sadd.s32 @!p0 $0x100000, s0  }
0x6a: {  	[sflag:s0] =	ssyncadd.tile.s32 @!p0 $0x1;
	_ =	shalt  }
.Lfunc_end2:
_tile_overlayer_lowered:
.L_overlay_start_2:
0x6b: {  	(tag) =	ssettag $0x2  }
0x6c: {  	s0 =	rddreg [dreg:$0x0];
	s2 =	stileid.u32  }
0x6d: {  	s1 =	rddreg [dreg:$0x1];
	p0 =	sne.s32 s2, $0x0  }
0x6e: {  	s3 =	rddreg [dreg:$0x2];
	[bflag:$0x3] =	sbarrier.arrive $0xFFFF;
	s2 =	simm.s32 @!p0 $0x1C05  }
0x6f: {  	[timem:s3], [sflag:s2] =	dma.local @!p0 [hbm:s0], s1  }
0x70: {  	s0 =	simm.s32 @!p0 $0x5  }
0x71: {  	_ =	swait.ge @!p0 [sflag:s0], s1  }
0x72: {  	s1 =	ssub.s32 @!p0 $0x0, s1;
	[sflag:s0] =	ssyncset.done @!p0 $0x0  }
0x73: {  	[sflag:s0] =	ssyncadd.s32 @!p0 s1  }
0x74: {  	[bflag:$0x3] =	sbarrier.arrive $0xFFFF  }
0x75: {  	_ =	shalt  }

// kernel: gcn_propagate.7.cloned.1.call-start
scs
__scs_entry_jumppad:
0x0: {  	(pc) =	sbr.rel $0x88, $3  }
0x1: {  	(tag) =	ssettag $0x0;
	lr =	simm.s32 $0x1  }
0x2: {  	[smem:$0x3F99] =	sst lr;
	_ =	strace $0xD0000000  }
0x3: {  	_ = 	snop  }
0x4: {  	_ = 	snop  }
0x5: {  	_ = 	snop  }
0x6: {  	_ = 	snop  }
0x7: {  	_ = 	snop  }
__scs_overlays_trampoline_lowered:
0x8: {  	[smem:$0x3FA8] =	sst s0  }
0x9: {  	[smem:$0x3FA9] =	sst s1  }
0xa: {  	[smem:$0x3FAA] =	sst s2  }
0xb: {  	[smem:$0x3FAB] =	sst s3  }
0xc: {  	[smem:$0x3FAC] =	sst s4  }
0xd: {  	[smem:$0x3FAD] =	sst s5  }
0xe: {  	[smem:$0x3FAE] =	sst s6  }
0xf: {  	[smem:$0x3FAF] =	sst s7  }
0x10: {  	[smem:$0x3FB0] =	sst s8  }
0x11: {  	[smem:$0x3FB1] =	sst s9;
	s0 =	simm.s32 @!p0 $0x0  }
0x12: {  	s1 =	sld [smem:$0x3F97];
	s0 =	simm.s32 @p0 $0x1  }
0x13: {  	[smem:$0x3FB2] =	sst s0;
	s0 =	simm.s32 @!p1 $0x0  }
0x14: {  	s2 =	sld [smem:$0x3F96];
	s0 =	simm.s32 @p1 $0x1  }
0x15: {  	[smem:$0x3FB3] =	sst s0;
	s0 =	simm.s32 @!p2 $0x0  }
0x16: {  	s3 =	sld [smem:$0x3FDB];
	s0 =	simm.s32 @p2 $0x1  }
0x17: {  	s4 =	simm.s32 $0x1BF5;
	[smem:$0x3FB5] =	sst s0  }
0x18: {  	s0 =	sld [smem:$0x3F98];
	_ =	swait.ge [sflag:s4], $0x0  }
0x19: {  	s7 =	sld [smem:$0x3F99]  }
0x1a: {  	s8 =	sadd.s32 $0xFFFFE003, lr  }
0x1b: {  	s9 =	sadd.s32 $0xFFFFFEF7, lr;
	s5 =	simm.s32 $0xFFFFFFFF;
	p2 =	slt.u32 s8, $0xFFFFF086  }
0x1c: {  	p1 =	slt.u32 s9, $0xF7A;
	s5 =	simm.s32 @!p2 $0x0  }
0x1d: {  	s5 =	simm.s32 @p1 $0x1;
	p0 =	seq.s32 s7, s2  }
0x1e: {  	s7 =	smul.u32 @!p0 $0xF7A, s2;
	p2 =	seq.s32 @!p0 s5, $0x0  }
0x1f: {  	s9 =	smul.u32 $0xF7A, s1;
	s8 =	simm.s32 @!p0 $0x1BF5;
	p2 =	por !p2, p0  }
0x20: {  	[sflag:s8] =	ssyncset.s32 @!p0 $0xFFFFF086;
	s6 =	sadd.s32 @!p0 s3, s7;
	s7 =	simm.s32 @!p0 $0x108  }
0x21: {  	s3 =	sadd.s32 s3, s9;
	s6 =	sadd.s32 @!p0 $0x88, s6;
	s7 =	simm.s32 @p2 $0x1082  }
0x22: {  	[simem:s7], [sflag:s8] =	dma.local @!p0 [hbm:s6], $0xF7A  }
0x23: {  	s9 =	sor.u32 $0xD0000000, s2;
	s6 =	simm.s32 $0x108;
	_ =	swait.ge @!p0 [sflag:s8], $0x0  }
0x24: {  	s3 =	sadd.s32 $0x88, s3;
	s6 =	simm.s32 @!p1 $0x1082;
	[sflag:s4] =	ssyncset.s32 $0xFFFFF086  }
0x25: {  	[simem:s6], [sflag:s4] =	dma.local [hbm:s3], $0xF7A  }
0x26: {  	[smem:$0x3F99] =	sst s1;
	(tag) =	ssettag s2;
	_ =	strace s9  }
0x27: {  	s1 =	sld [smem:$0x3FA9]  }
0x28: {  	s2 =	sld [smem:$0x3FAA]  }
0x29: {  	s4 =	sld [smem:$0x3FAC]  }
0x2a: {  	p0 =	seq.s32 s5, $0x0;
	s5 =	sld [smem:$0x3FAD]  }
0x2b: {  	s6 =	sld [smem:$0x3FAE]  }
0x2c: {  	s7 =	sld [smem:$0x3FAF]  }
0x2d: {  	s3 =	simm.s32 $0x108;
	s8 =	sld [smem:$0x3FB0]  }
0x2e: {  	s3 =	simm.s32 @!p0 $0x1082;
	s9 =	sld [smem:$0x3FB1]  }
0x2f: {  	lr =	sadd.s32 s0, s3;
	s0 =	sld [smem:$0x3FA8]  }
0x30: {  	s3 =	sld [smem:$0x3FAB]  }
0x31: {  	[smem:$0x3FB4] =	sst s10  }
0x32: {  	s10 =	sld [smem:$0x3FB2];
	_ =	sdelay $0x3  }
0x33: {  	p0 =	seq.s32 s10, $0x1;
	s10 =	sld [smem:$0x3FB4];
	_ =	sdelay $0x3  }
0x34: {  	[smem:$0x3FB4] =	sst s10  }
0x35: {  	s10 =	sld [smem:$0x3FB3];
	_ =	sdelay $0x3  }
0x36: {  	p1 =	seq.s32 s10, $0x1;
	s10 =	sld [smem:$0x3FB4];
	_ =	sdelay $0x3  }
0x37: {  	[smem:$0x3FB4] =	sst s10  }
0x38: {  	s10 =	sld [smem:$0x3FB5]  }
0x39: {  	_ = 	snop;
	(pc) =	sbr.ind lr, $3  }
0x3a: {  	_ = 	snop  }
0x3b: {  	_ = 	snop  }
0x3c: {  	p2 =	seq.s32 s10, $0x1;
	s10 =	sld [smem:$0x3FB4]  }
0x3d: {  	_ =	shalt  }
0x3e: {  	_ =	shalt  }
0x3f: {  	_ =	shalt  }
0x40: {  	_ =	shalt  }
0x41: {  	_ =	shalt  }
0x42: {  	_ =	shalt  }
0x43: {  	_ =	shalt  }
0x44: {  	_ =	shalt  }
0x45: {  	_ =	shalt  }
0x46: {  	_ =	shalt  }
0x47: {  	_ =	shalt  }
0x48: {  	_ =	shalt  }
0x49: {  	_ =	shalt  }
0x4a: {  	_ =	shalt  }
0x4b: {  	_ =	shalt  }
0x4c: {  	_ =	shalt  }
0x4d: {  	_ =	shalt  }
0x4e: {  	_ =	shalt  }
0x4f: {  	_ =	shalt  }
0x50: {  	_ =	shalt  }
0x51: {  	_ =	shalt  }
0x52: {  	_ =	shalt  }
0x53: {  	_ =	shalt  }
0x54: {  	_ =	shalt  }
0x55: {  	_ =	shalt  }
0x56: {  	_ =	shalt  }
0x57: {  	_ =	shalt  }
0x58: {  	_ =	shalt  }
0x59: {  	_ =	shalt  }
0x5a: {  	_ =	shalt  }
0x5b: {  	_ =	shalt  }
0x5c: {  	_ =	shalt  }
0x5d: {  	_ =	shalt  }
0x5e: {  	_ =	shalt  }
0x5f: {  	_ =	shalt  }
0x60: {  	_ =	shalt  }
0x61: {  	_ =	shalt  }
0x62: {  	_ =	shalt  }
0x63: {  	_ =	shalt  }
0x64: {  	_ =	shalt  }
0x65: {  	_ =	shalt  }
0x66: {  	_ =	shalt  }
0x67: {  	_ =	shalt  }
0x68: {  	_ =	shalt  }
0x69: {  	_ =	shalt  }
0x6a: {  	_ =	shalt  }
0x6b: {  	_ =	shalt  }
0x6c: {  	_ =	shalt  }
0x6d: {  	_ =	shalt  }
0x6e: {  	_ =	shalt  }
0x6f: {  	_ =	shalt  }
0x70: {  	_ =	shalt  }
0x71: {  	_ =	shalt  }
0x72: {  	_ =	shalt  }
0x73: {  	_ =	shalt  }
0x74: {  	_ =	shalt  }
0x75: {  	_ =	shalt  }
0x76: {  	_ =	shalt  }
0x77: {  	_ =	shalt  }
0x78: {  	_ =	shalt  }
0x79: {  	_ =	shalt  }
0x7a: {  	_ =	shalt  }
0x7b: {  	_ =	shalt  }
0x7c: {  	_ =	shalt  }
0x7d: {  	_ =	shalt  }
0x7e: {  	_ =	shalt  }
0x7f: {  	_ =	shalt  }
0x80: {  	_ =	shalt  }
0x81: {  	_ =	shalt  }
0x82: {  	_ =	shalt  }
0x83: {  	_ =	shalt  }
0x84: {  	_ =	shalt  }
0x85: {  	_ =	shalt  }
0x86: {  	_ =	shalt  }
0x87: {  	_ =	shalt  }
.Lfunc_end0:
.L_simem_size_0:
called_computation.2_lowered:
.L_overlay_start_0:
0x88: {  	s2 =	sld [smem:$0x3FD9]  }
0x89: {  	s3 =	sld [smem:$0x3FFE];
	_ =	sdelay $0x1  }
0x8a: {  	s1 =	srdreg.scid  }
0x8b: {  	s0 =	sand.u32 $0x1, s1  }
0x8c: {  	s16 =	sshll.u32 s0, $0xA;
	s2 =	sadd.s32 s3, s2  }
0x8d: {  	s2 =	sadd.s32 s2, s16  }
0x8e: {  	[smem:$0x3FC0] =	sst s2  }
0x8f: {  	_ = 	snop  }
0x90: {  	(tm) =	ssettm $0x1  }
0x91: {  	s17 =	sld [smem:$0x3FFB];
	_ =	sdelay $0x3  }
0x92: {  	_ =	strace s17  }
0x93: {  	s2 =	sld [smem:$0x3FFC];
	_ =	sdelay $0x3  }
0x94: {  	_ =	strace s2  }
0x95: {  	s2 =	sld [smem:$0x3FFD];
	_ =	sdelay $0x3  }
0x96: {  	_ =	strace s2  }
0x97: {  	_ =	strace $0x8FFFFFFF  }
0x98: {  	s18 =	sld [smem:$0x3FDB];
	_ =	sdelay $0x1  }
0x99: {  	s19 =	simm.s32 $_scs_section_size  }
0x9a: {  	s4 =	simm.s32 $_size__tile_overlayer_lowered;
	s5 =	simm.s32 $_tile_overlayer_lowered  }
0x9b: {  	s22 =	simm.s32 $0x1BFF;
	s21 =	sshll.u32 s5, $0x1;
	s2 =	sadd.s32 s19, s18  }
0x9c: {  	s6 =	simm.s32 $0x0;
	s20 =	sshll.u32 s4, $0x1;
	s4 =	sadd.s32 s21, s2  }
0x9d: {  	[timem:s6], [sflag:s22] =	dma.local [hbm:s4], s20  }
0x9e: {  	_ =	swait.ge [sflag:s22], s20  }
0x9f: {  	s3 =	ssub.s32 $0x0, s20;
	[sflag:s22] =	ssyncset.done $0x0  }
0xa0: {  	[sflag:s22] =	ssyncadd.s32 s3;
	_ =	sdelay $0x1  }
0xa1: {  	s23 =	simm.s32 $0x1B8B  }
0xa2: {  	_ =	swait.ge [sflag:s23], $0x1  }
0xa3: {  	[sflag:s23] =	ssyncset.done $0x0  }
0xa4: {  	s25 =	simm.s32 $0x1B8E;
	s24 =	sld [smem:$0x3FFE];
	[sflag:s23] =	ssyncadd.s32 $0xFFFFFFFF  }
0xa5: {  	s26 =	simm.s32 $execute0_lowered;
	[smem:$0x3FD2] =	sst s25  }
0xa6: {  	s4 =	sshll.u32 s26, $0x1;
	_ =	strace $0x8000004C;
	[dreg:$0x1] =	wrdreg $0xFFFFFFFF  }
0xa7: {  	s28 =	simm.s32 $_size_execute0_lowered;
	s2 =	sadd.s32 s2, s4;
	[dreg:$0x0] =	wrdreg $0x0  }
0xa8: {  	s4 =	sshll.u32 s28, $0x1;
	[dreg:$0x2] =	wrdreg s2  }
0xa9: {  	[dreg:$0x3] =	wrdreg s4  }
0xaa: {  	[dreg:$0x4] =	wrdreg $0xC0  }
0xab: {  	_ =	task [dreg:s6], $0x5FFFF  }
0xac: {  	[dreg:$0x1] =	wrdreg $0xFFFFFFFF  }
0xad: {  	[dreg:$0x0] =	wrdreg $0x60  }
0xae: {  	[dreg:$0x2] =	wrdreg s24  }
0xaf: {  	[dreg:$0x3] =	wrdreg $0x0  }
0xb0: {  	[dreg:$0x4] =	wrdreg $0x9C400  }
0xb1: {  	[dreg:$0x5] =	wrdreg $0x9  }
0xb2: {  	_ =	task.clear_ibuf [dreg:s6], $0x6FFFF;
	_ =	strace $0x9000004C  }
0xb3: {  	s29 =	simm.s32 $0x9;
	_ =	strace $0x8000004E  }
0xb4: {  	_ =	swait.ge [sflag:s29], $0x1  }
0xb5: {  	[sflag:s29] =	ssyncadd.s32 $0xFFFFFFFF  }
0xb6: {  	_ =	strace $0x9000004E  }
0xb7: {  	_ =	sfence  }
0xb8: {  	s30 =	sld [smem:$0x0];
	_ =	sdelay $0x2  }
0xb9: {  	s31 =	sshll.u32 s1, $0xD;
	s1 =	sshrl.u32 s1, $0x2  }
0xba: {  	s3 =	sand.u32 $0x4000, s31;
	s1 =	sadd.s32 s1, s30  }
0xbb: {  	s0 =	sor.u32 s3, s0;
	s1 =	sshll.u32 s1, $0x11  }
0xbc: {  	s0 =	sor.u32 s1, s0  }
0xbd: {  	s0 =	sadd.s32 $0x8F2B, s0  }
0xbe: {  	[sflag:s0] =	ssyncadd.remote.s32 $0x1  }
0xbf: {  	_ =	sfence.sel $0xFFFF  }
0xc0: {  	[dreg:$0x0] =	wrdreg $0xFFFFFFFF;
	(pc) =	sbr.abs _section_cstart, $3  }
0xc1: {  	[dreg:$0x1] =	wrdreg $0xFFFFFFFF  }
0xc2: {  	_ =	task.clear_ibuf [dreg:s6], $0x2FFFF;
	_ =	strace $0x9FFFFFFF  }
0xc3: {  	(tm) =	ssettm $0x7FFFFFFF  }
tec
execute0_lowered:
.L_overlay_start_1:
0x0: {  	(tag) =	ssettag $0x1  }
0x1: {  	s0 =	rddreg [dreg:$0x0]  }
0x2: {  	s2 =	rddreg [dreg:$0x1]  }
0x3: {  	s3 =	rddreg [dreg:$0x2];
	s13 =	stileid.u32;
	s4 =	simm.s32 $0x0  }
0x4: {  	s5 =	srdreg.scid;
	s15 =	simm.s32 $0x13880;
	s17 =	simm.s32 $0x1  }
0x5: {  	s18 =	simm.s32 $0x2;
	s19 =	simm.s32 $0x3;
	s20 =	simm.s32 $0x4  }
0x6: {  	s21 =	simm.s32 $0x28;
	s22 =	simm.s32 $0x1D4C0;
	s23 =	simm.s32 $0x1DEC0  }
0x7: {  	s28 =	simm.s32 $0x1D470;
	s29 =	simm.s32 $0x1D498;
	s1 =	smul.u32 $0x4E20, s13  }
0x8: {  	s30 =	simm.s32 $0x10;
	s31 =	simm.s32 $0x8;
	s6 =	smul.u32 $0x13880, s13  }
0x9: {  	[smem:$0x7FF] =	sst s4;
	s5 =	sand.u32 $0x1, s5;
	s9 =	smul.u32 $0x9C40, s13  }
0xa: {  	s25 =	smul.u32 $0x27100, s13;
	_ =	strace $0x8000004D;
	s7 =	sshll.u32 s5, $0x6  }
0xb: {  	s24 =	ssub.s32 $0x2, s5;
	p0 =	seq.s32 s5, $0x1;
	s1 =	sshrl.u32 s1, $0x3  }
0xc: {  	s6 =	sor.u32 s7, s6;
	s8 =	sshrl.u32 s24, $0x1;
	s12 =	sadd.s32 s9, s2  }
0xd: {  	s11 =	sshrl.u32 s9, $0x3;
	s14 =	sadd.s32 s9, s3;
	s9 =	simm.s32 $0x65000  }
0xe: {  	s26 =	sshrl.u32 s25, $0x2;
	s1 =	sadd.s32 s1, s0;
	s6 =	sshrl.u32 s6, $0x3  }
0xf: {  	s8 =	ssub.s32 s24, s8;
	s9 =	simm.s32 @!p0 $0x78A00;
	s12 =	sshrl.u32 s12, $0x3  }
0x10: {  	s14 =	sshrl.u32 s14, $0x3;
	s24 =	simm.s32 $0x5;
	s10 =	sadd.s32 s6, s0  }
0x11: {  	s5 =	sadd.s32 $0x3400, s1;
	s6 =	sadd.s32 $0xD040, s1;
	s1 =	sadd.s32 s26, s3  }
0x12: {  	s0 =	sadd.s32 s9, s0;
	s8 =	smax.u32 s8, $0x1;
	s7 =	sadd.s32 $0x8C400, s10  }
0x13: {  	s9 =	sadd.s32 s0, s11;
	s10 =	sshll.u32 s13, $0x6;
	s25 =	sshrl.u32 s1, $0x3  }
0x14: {  	s0 =	simm.s32 $0x0;
	s11 =	sor.u32 $0x1C01, s10;
	s13 =	sor.u32 $0x1C02, s10  }
.LBB2_1:
0x15: {  	[spmem:s12], [sflag:s11] =	dma.local [hbm:s9], $0x1388  }
0x16: {  	[spmem:s14], [sflag:s13] =	dma.local [hbm:s9], $0x1388  }
0x17: {  	[tilespmem:s15], [sflag:$0x3] =	stream.linear.gather [hbm4b:s5+s4], $0x4E20, $0x38;
	[tilespmem:$0x1E8C0] =	vst v63  }
0x18: {  	s1 =	simm.s32 $0x186A0  }
0x19: {  	[tilespmem:s1], [sflag:$0x4] =	stream.linear.gather [hbm4b:s6+s4], $0x4E20, $0x38;
	[tilespmem:$0x1E8C0] =	vst v63  }
0x1a: {  	_ =	swait.ge [sflag:s17], $0x1388  }
0x1b: {  	[sflag:s17] =	ssyncset.done $0x0  }
0x1c: {  	[sflag:s17] =	ssyncadd.s32 $0xFFFFEC78  }
0x1d: {  	_ =	swait.ge [sflag:s18], $0x1388  }
0x1e: {  	[sflag:s18] =	ssyncset.done $0x0  }
0x1f: {  	[sflag:s18] =	ssyncadd.s32 $0xFFFFEC78  }
0x20: {  	_ =	swait.ge [sflag:s19], $0x4E20  }
0x21: {  	[sflag:s19] =	ssyncset.done $0x0  }
0x22: {  	[sflag:s19] =	ssyncadd.s32 $0xFFFFB1E0  }
0x23: {  	_ =	swait.ge [sflag:s20], $0x4E20  }
0x24: {  	[sflag:s20] =	ssyncset.done $0x0  }
0x25: {  	[sflag:s20] =	ssyncadd.s32 $0xFFFFB1E0  }
0x26: {  	[bflag:$0x0] =	sbarrier.arrive $0xFFFF  }
0x27: {  	[tilespmem:s22], [sflag:$0x1] =	stream.indirect.gather [spmem:s2], $0x40, s15, s21, $0xb8;
	[tilespmem:$0x1E8C0] =	vst v63  }
0x28: {  	_ =	swait.ge [sflag:s17], $0xA00  }
0x29: {  	[sflag:s17] =	ssyncset.done $0x0  }
0x2a: {  	s16 =	simm.s32 $0x138A8;
	[sflag:s17] =	ssyncadd.s32 $0xFFFFF600  }
0x2b: {  	[tilespmem:s23], [sflag:$0x2] =	stream.indirect.gather [spmem:s2], $0x40, s16, s21, $0xb8;
	[tilespmem:$0x1E8C0] =	vst v63  }
0x2c: {  	s26 =	simm.s32 $0x186A0  }
0x2d: {  	[spmem:s3] =	stream.indirect.scatter.add.f32 [tilespmem:s22], [sflag:$0x5], $0x40, s26, s21, $0xb8;
	[tilespmem:$0x1E8C0] =	vst v63  }
0x2e: {  	_ =	swait.ge [sflag:s24], $0xA00  }
0x2f: {  	[sflag:s24] =	ssyncset.done $0x0  }
0x30: {  	[sflag:s24] =	ssyncadd.s32 $0xFFFFF600  }
0x31: {  	_ =	swait.ge [sflag:s18], $0xA00  }
0x32: {  	[sflag:s18] =	ssyncset.done $0x0  }
0x33: {  	s16 =	simm.s32 $0x138D0;
	[sflag:s18] =	ssyncadd.s32 $0xFFFFF600  }
0x34: {  	[tilespmem:s22], [sflag:$0x1] =	stream.indirect.gather [spmem:s2], $0x40, s16, s21, $0xb8;
	[tilespmem:$0x1E8C0] =	vst v63  }
0x35: {  	s26 =	simm.s32 $0x186C8  }
0x36: {  	[spmem:s3] =	stream.indirect.scatter.add.f32 [tilespmem:s23], [sflag:$0x5], $0x40, s26, s21, $0xb8;
	[tilespmem:$0x1E8C0] =	vst v63  }
0x37: {  	_ =	swait.ge [sflag:s24], $0xA00  }
0x38: {  	s1 =	simm.s32 $0x140;
	[sflag:s24] =	ssyncset.done $0x0  }
.LBB2_2:
0x39: {  	p0 =	sne.s32 s1, $0x13600  }
0x3a: {  	[sflag:s24] =	ssyncadd.s32 $0xFFFFF600;
	s16 =	smov.u32 s1;
	s1 =	sadd.s32 $0x140, s1  }
0x3b: {  	_ = 	snop  }
0x3c: {  	_ =	swait.ge [sflag:s17], $0xA00  }
0x3d: {  	s16 =	sshra.s32 s16, $0x2;
	[sflag:s17] =	ssyncset.done $0x0  }
0x3e: {  	s26 =	sadd.s32 $0x138A8, s16;
	[sflag:s17] =	ssyncadd.s32 $0xFFFFF600  }
0x3f: {  	[tilespmem:s23], [sflag:$0x2] =	stream.indirect.gather [spmem:s2], $0x40, s26, s21, $0xb8;
	[tilespmem:$0x1E8C0] =	vst v63  }
0x40: {  	s26 =	sadd.s32 $0x186A0, s16  }
0x41: {  	[spmem:s3] =	stream.indirect.scatter.add.f32 [tilespmem:s22], [sflag:$0x5], $0x40, s26, s21, $0xb8;
	[tilespmem:$0x1E8C0] =	vst v63  }
0x42: {  	_ =	swait.ge [sflag:s24], $0xA00  }
0x43: {  	[sflag:s24] =	ssyncset.done $0x0  }
0x44: {  	[sflag:s24] =	ssyncadd.s32 $0xFFFFF600  }
0x45: {  	_ =	swait.ge [sflag:s18], $0xA00  }
0x46: {  	[sflag:s18] =	ssyncset.done $0x0  }
0x47: {  	s26 =	sadd.s32 $0x138D0, s16;
	[sflag:s18] =	ssyncadd.s32 $0xFFFFF600  }
0x48: {  	[tilespmem:s22], [sflag:$0x1] =	stream.indirect.gather [spmem:s2], $0x40, s26, s21, $0xb8;
	[tilespmem:$0x1E8C0] =	vst v63  }
.Ltmp0:
0x49: {  	_ = 	snop;
	(pc) =	sbr.rel @p0 .LBB2_2-.Ltmp0, $4  }
0x4a: {  	s16 =	sadd.s32 $0x186C8, s16  }
0x4b: {  	[spmem:s3] =	stream.indirect.scatter.add.f32 [tilespmem:s23], [sflag:$0x5], $0x40, s16, s21, $0xb8;
	[tilespmem:$0x1E8C0] =	vst v63  }
0x4c: {  	_ =	swait.ge [sflag:s24], $0xA00  }
0x4d: {  	[sflag:s24] =	ssyncset.done $0x0  }
0x4e: {  	[sflag:s24] =	ssyncadd.s32 $0xFFFFF600  }
0x4f: {  	_ =	swait.ge [sflag:s17], $0xA00  }
0x50: {  	[sflag:s17] =	ssyncset.done $0x0  }
0x51: {  	s1 =	simm.s32 $0x18678;
	[sflag:s17] =	ssyncadd.s32 $0xFFFFF600  }
0x52: {  	[tilespmem:s23], [sflag:$0x2] =	stream.indirect.gather [spmem:s2], $0x40, s1, s21, $0xb8;
	[tilespmem:$0x1E8C0] =	vst v63  }
0x53: {  	_ = 	snop  }
0x54: {  	[spmem:s3] =	stream.indirect.scatter.add.f32 [tilespmem:s22], [sflag:$0x5], $0x40, s28, s21, $0xb8;
	[tilespmem:$0x1E8C0] =	vst v63  }
0x55: {  	_ =	swait.ge [sflag:s24], $0xA00  }
0x56: {  	[sflag:s24] =	ssyncset.done $0x0  }
0x57: {  	[sflag:s24] =	ssyncadd.s32 $0xFFFFF600  }
0x58: {  	_ =	swait.ge [sflag:s18], $0xA00  }
0x59: {  	[sflag:s18] =	ssyncset.done $0x0  }
0x5a: {  	[sflag:s18] =	ssyncadd.s32 $0xFFFFF600  }
0x5b: {  	[spmem:s3] =	stream.indirect.scatter.add.f32 [tilespmem:s23], [sflag:$0x5], $0x40, s29, s21, $0xb8;
	[tilespmem:$0x1E8C0] =	vst v63  }
0x5c: {  	_ =	swait.ge [sflag:s24], $0xA00  }
0x5d: {  	s0 =	sadd.s32 $0x1, s0;
	[sflag:s24] =	ssyncset.done $0x0  }
0x5e: {  	p0 =	sne.s32 s0, s8;
	[sflag:s24] =	ssyncadd.s32 $0xFFFFF600  }
.Ltmp1:
0x5f: {  	s26 =	sor.u32 $0x1C05, s10;
	[bflag:$0x0] =	sbarrier.arrive $0xFFFF;
	(pc) =	sbr.rel @p0 .LBB2_1-.Ltmp1, $4  }
0x60: {  	[hbm:s7@s30], [sflag:s26] =	dma.strided [spmem:s25@s31], $0x1388, s17, $0x8   }
0x61: {  	_ =	swait.ge [sflag:s24], $0x1388  }
0x62: {  	[sflag:s24] =	ssyncset.done $0x0  }
0x63: {  	[sflag:s24] =	ssyncadd.s32 $0xFFFFEC78  }
0x64: {  	_ =	sfence.sel $0x180000  }
0x65: {  	[bflag:$0x0] =	sbarrier.arrive $0xFFFF  }
0x66: {  	_ =	strace $0x9000004D  }
0x67: {  	s0 =	stileid.u32;
	[bflag:$0x2] =	sbarrier.arrive $0xFFFF  }
0x68: {  	p0 =	sne.s32 s0, $0x0;
	s0 =	rddreg [dreg:$0x3]  }
0x69: {  	s0 =	sadd.s32 @!p0 $0x100000, s0  }
0x6a: {  	[sflag:s0] =	ssyncadd.tile.s32 @!p0 $0x1;
	_ =	shalt  }
.Lfunc_end2:
_tile_overlayer_lowered:
.L_overlay_start_2:
0x6b: {  	(tag) =	ssettag $0x2  }
0x6c: {  	s0 =	rddreg [dreg:$0x0];
	s2 =	stileid.u32  }
0x6d: {  	s1 =	rddreg [dreg:$0x1];
	p0 =	sne.s32 s2, $0x0  }
0x6e: {  	s3 =	rddreg [dreg:$0x2];
	[bflag:$0x3] =	sbarrier.arrive $0xFFFF;
	s2 =	simm.s32 @!p0 $0x1C05  }
0x6f: {  	[timem:s3], [sflag:s2] =	dma.local @!p0 [hbm:s0], s1  }
0x70: {  	s0 =	simm.s32 @!p0 $0x5  }
0x71: {  	_ =	swait.ge @!p0 [sflag:s0], s1  }
0x72: {  	s1 =	ssub.s32 @!p0 $0x0, s1;
	[sflag:s0] =	ssyncset.done @!p0 $0x0  }
0x73: {  	[sflag:s0] =	ssyncadd.s32 @!p0 s1  }
0x74: {  	[bflag:$0x3] =	sbarrier.arrive $0xFFFF  }
0x75: {  	_ =	shalt  }

</sc_bundles>
